<compile_context>
chip_gen: v7x
topology: tpu7x:2x2x1
jax: 0.10.2.dev20260603
libtpu: 0.0.44.dev20260713+nightly
codegen_flags: <defaults>
</compile_context>

<pallas_src>
import functools

import numpy as np

import jax
import jax.numpy as jnp
from jax import lax
from jax.experimental import pallas as pl
from jax.experimental.pallas import tpu as pltpu
from jax.experimental.pallas import tpu_sc as plsc

B = 1024
PRED_LEN = 8192
TRUE_LEN = 2048
SF = PRED_LEN // TRUE_LEN
NC = 2
NS = 16
L = 16
NW = NC * NS
T_VALID = TRUE_LEN - 2
NFULL = T_VALID // L
TAIL = T_VALID - NFULL * L

SC_ROWS = 512


def _make_sc_body(rpw, halves):

    def _sc_body(pred_hbm, ori_hbm, out_hbm, pred_v0, pred_v1, ori_v0,
                 ori_v1, stat_v, part_v, sp0, so0, sp1, so1):
        wid = lax.axis_index("s") * NC + lax.axis_index("c")
        iota = lax.iota(jnp.int32, L)
        row_base = wid * rpw
        row_last = row_base + rpw - 1
        sem_p = (sp0, sp1)
        sem_o = (so0, so1)
        pred_bufs = (pred_v0, pred_v1)
        ori_bufs = (ori_v0, ori_v1)
        zero = jnp.zeros((L,), jnp.float32)

        for b in range(2):
            ori_bufs[b][pl.ds(TRUE_LEN, L)] = zero

        for rr in range(rpw, halves * L):
            stat_v[pl.ds(rr * L, L)] = zero
            stat_v[pl.ds((halves * L + rr) * L, L)] = zero

        def start(row, b):
            pltpu.async_copy(pred_hbm.at[row], pred_bufs[b], sem_p[b])
            pltpu.async_copy(ori_hbm.at[row],
                             ori_bufs[b].at[pl.ds(0, TRUE_LEN)], sem_o[b])

        def wait(b):
            pltpu.make_async_copy(pred_hbm.at[0], pred_bufs[b],
                                  sem_p[b]).wait()
            pltpu.make_async_copy(ori_hbm.at[0],
                                  ori_bufs[b].at[pl.ds(0, TRUE_LEN)],
                                  sem_o[b]).wait()

        def row_stats(b, r):
            pv = pred_bufs[b]
            ov = ori_bufs[b]

            def chunk_body(j, c):
                asum, acnt, idx = c
                t0 = 1 + j * L
                o_prev = ov[pl.ds(t0 - 1, L)]
                o_cur = ov[pl.ds(t0, L)]
                o_next = ov[pl.ds(t0 + 1, L)]
                d1 = o_cur - o_prev
                d2 = o_next - o_cur
                mask = (d1 * d2 < 0.0) & (d1 > 0.0)
                p0 = plsc.load_gather(pv, [idx])
                p1 = plsc.load_gather(pv, [idx + 1])
                p2 = plsc.load_gather(pv, [idx + 2])
                p3 = plsc.load_gather(pv, [idx + 3])
                pm = jnp.maximum(jnp.maximum(p0, p1), jnp.maximum(p2, p3))
                d = pm - o_cur
                sq = d * d
                asum = asum + jnp.where(mask, sq, 0.0)
                acnt = acnt + jnp.where(mask, 1.0, 0.0)
                return asum, acnt, idx + (SF * L)

            idx0 = (iota + 1) * SF
            asum, acnt, _ = lax.fori_loop(
                0, NFULL, chunk_body, (zero, zero, idx0), unroll=2
            )

            t0 = 1 + NFULL * L
            t = t0 + iota
            lane_ok = iota < TAIL
            o_prev = ov[pl.ds(t0 - 1, L)]
            o_cur = ov[pl.ds(t0, L)]
            o_next = ov[pl.ds(t0 + 1, L)]
            d1 = o_cur - o_prev
            d2 = o_next - o_cur
            mask = (d1 * d2 < 0.0) & (d1 > 0.0) & lane_ok
            idx = jnp.minimum(t, T_VALID) * SF
            p0 = plsc.load_gather(pv, [idx])
            p1 = plsc.load_gather(pv, [idx + 1])
            p2 = plsc.load_gather(pv, [idx + 2])
            p3 = plsc.load_gather(pv, [idx + 3])
            pm = jnp.maximum(jnp.maximum(p0, p1), jnp.maximum(p2, p3))
            d = pm - o_cur
            sq = d * d
            asum = asum + jnp.where(mask, sq, 0.0)
            acnt = acnt + jnp.where(mask, 1.0, 0.0)

            stat_v[pl.ds(r * L, L)] = asum
            stat_v[pl.ds((halves * L + r) * L, L)] = acnt

        start(row_base, 0)
        start(row_base + 1, 1)

        def pair_body(g, carry):
            r0 = 2 * g
            wait(0)
            row_stats(0, r0)
            start(jnp.minimum(row_base + r0 + 2, row_last), 0)
            wait(1)
            row_stats(1, r0 + 1)
            start(jnp.minimum(row_base + r0 + 3, row_last), 1)
            return carry

        lax.fori_loop(0, rpw // 2, pair_body, 0)
        wait(0)
        wait(1)

        tot = zero
        val = zero
        base_vec = iota * L
        for half in range(halves):
            s_acc = zero
            c_acc = zero
            for k in range(L):
                s_acc = s_acc + plsc.load_gather(
                    stat_v, [base_vec + (half * L * L + k)])
                c_acc = c_acc + plsc.load_gather(
                    stat_v, [base_vec + ((halves + half) * L * L + k)])
            bl = s_acc / jnp.maximum(c_acc, 1.0)
            v_v = jnp.where(c_acc > 0.0, 1.0, 0.0).astype(jnp.float32)
            tot = tot + bl * v_v
            val = val + v_v

        tot_s = jnp.full((L,), jnp.sum(tot), jnp.float32)
        val_s = jnp.full((L,), jnp.sum(val), jnp.float32)
        part_v[...] = jnp.where(
            iota == 0, tot_s, jnp.where(iota == 1, val_s, jnp.float32(0.0))
        )
        pltpu.sync_copy(part_v, out_hbm.at[wid])

    return _sc_body


def _sc_partial(y_pred, y_ori, sc_rows):
    rpw = sc_rows // NW
    halves = -(-rpw // L)
    mesh = plsc.VectorSubcoreMesh(core_axis_name="c", subcore_axis_name="s")
    run = functools.partial(
        pl.kernel,
        mesh=mesh,
        compiler_params=pltpu.CompilerParams(needs_layout_passes=False),
        out_type=jax.ShapeDtypeStruct((NW, L), jnp.float32),
        scratch_types=[
            pltpu.VMEM((PRED_LEN,), jnp.float32),
            pltpu.VMEM((PRED_LEN,), jnp.float32),
            pltpu.VMEM((TRUE_LEN + L,), jnp.float32),
            pltpu.VMEM((TRUE_LEN + L,), jnp.float32),
            pltpu.VMEM((2 * halves * L * L,), jnp.float32),
            pltpu.VMEM((L,), jnp.float32),
            pltpu.SemaphoreType.DMA,
            pltpu.SemaphoreType.DMA,
            pltpu.SemaphoreType.DMA,
            pltpu.SemaphoreType.DMA,
        ],
    )(_make_sc_body(rpw, halves))
    parts = run(y_pred, y_ori)
    return jnp.sum(parts[:, 0]), jnp.sum(parts[:, 1])



TC_BR = 128

_SEL_CONST = np.asarray(
    np.arange(512)[:, None] == 4 * np.arange(128)[None, :], dtype=np.float32)


def _tc_body(pred_ref, ori_ref, sel_ref, out_ref, m_ref):
    i = pl.program_id(0)
    o = ori_ref[...]
    d1 = o - pltpu.roll(o, 1, 1)
    d2 = pltpu.roll(d1, TRUE_LEN - 1, 1)
    li = lax.broadcasted_iota(jnp.int32, (TC_BR, TRUE_LEN), 1)
    ok = (li >= 1) & (li <= T_VALID)
    m = ((d1 * d2 < 0.0) & (d1 > 0.0) & ok).astype(jnp.float32)
    m_ref[...] = m
    cnt = jnp.sum(m, axis=1)

    sel = sel_ref[...]
    acc0 = jnp.zeros((TC_BR, 128), jnp.float32)
    acc1 = jnp.zeros((TC_BR, 128), jnp.float32)
    for k in range(PRED_LEN // 512):
        p5 = pred_ref[:, 512 * k:512 * (k + 1)]
        m1 = jnp.maximum(p5, pltpu.roll(p5, 511, 1))
        m2 = jnp.maximum(m1, pltpu.roll(m1, 510, 1))
        hi = m2.astype(jnp.bfloat16).astype(jnp.float32)
        lo = m2 - hi
        wm = (jnp.dot(hi, sel, preferred_element_type=jnp.float32)
              + jnp.dot(lo, sel, preferred_element_type=jnp.float32))
        oc = ori_ref[:, 128 * k:128 * (k + 1)]
        mc = m_ref[:, 128 * k:128 * (k + 1)]
        d = wm - oc
        if k % 2 == 0:
            acc0 = acc0 + mc * d * d
        else:
            acc1 = acc1 + mc * d * d

    s = jnp.sum(acc0 + acc1, axis=1)
    bl = s / jnp.maximum(cnt, 1.0)
    v = (cnt > 0.0).astype(jnp.float32)

    @pl.when(i == 0)
    def _():
        out_ref[...] = jnp.zeros_like(out_ref)

    lo = lax.broadcasted_iota(jnp.int32, (1, 128), 1)
    tot_s = jnp.sum(bl * v)
    val_s = jnp.sum(v)
    contrib = jnp.where(lo == 0, tot_s, jnp.where(lo == 1, val_s, 0.0))
    out_ref[...] += contrib.astype(jnp.float32)


def _tc_partial(y_pred, y_ori, row0, rows):
    assert row0 % TC_BR == 0 and rows % TC_BR == 0
    nblk = rows // TC_BR
    blk0 = row0 // TC_BR
    sel = _SEL_CONST
    parts = pl.pallas_call(
        _tc_body,
        grid=(nblk,),
        in_specs=[
            pl.BlockSpec((TC_BR, PRED_LEN), lambda i: (blk0 + i, 0)),
            pl.BlockSpec((TC_BR, TRUE_LEN), lambda i: (blk0 + i, 0)),
            pl.BlockSpec((512, 128), lambda i: (0, 0)),
        ],
        out_specs=pl.BlockSpec((1, 128), lambda i: (0, 0)),
        out_shape=jax.ShapeDtypeStruct((1, 128), jnp.float32),
        scratch_shapes=[pltpu.VMEM((TC_BR, TRUE_LEN), jnp.float32)],
    )(y_pred, y_ori, sel)
    return parts[0, 0], parts[0, 1]


def kernel(y_pred, y_ori):
    tc_tot, tc_val = _tc_partial(y_pred, y_ori, SC_ROWS, B - SC_ROWS)
    sc_tot, sc_val = _sc_partial(y_pred, y_ori, SC_ROWS)
    tot = sc_tot + tc_tot
    val = sc_val + tc_val
    return tot / jnp.maximum(val, 1.0)

# --- scband reference (transcript-rebuilt; emitter-appended) ---
"""Pipeline reference for scband-temporal-scale-maxima-aligned-loss-1391569404168 (READ-ONLY COPY).

The authoritative reference and input builder live on the scoring server;
editing this copy changes nothing except your own understanding.
"""

import jax, jax.numpy as jnp
import numpy as np


def setup_inputs(seed: int = 0) -> dict:
    key = jax.random.key(seed)
    k1, k2 = jax.random.split(key)
    y_pred = jax.random.normal(k1, (1024, 8192), dtype=jnp.float32)
    y_ori = jax.random.normal(k2, (1024, 2048), dtype=jnp.float32)
    return {"y_pred": y_pred, "y_ori": y_ori}


def reference(y_pred, y_ori):
    B, pred_len = y_pred.shape
    true_len = y_ori.shape[1]
    scale_factor = max(pred_len, true_len) // min(pred_len, true_len)
    is_pred_higher = pred_len > true_len

    # find_maxima_with_indices on y_ori (vectorized mask form)
    diff = y_ori[:, 1:] - y_ori[:, :-1]
    sign_changes = diff[:, 1:] * diff[:, :-1]
    maxima_mask = (sign_changes < 0) & (diff[:, :-1] > 0)  # [B, true_len-2]; col j <-> index j+1

    if is_pred_higher:
        # unfold(dim=1, size=sf, step=sf) == reshape when divisible
        windows = y_pred.reshape(B, pred_len // scale_factor, scale_factor)
        window_max = jnp.max(windows, axis=2)  # [B, n_windows] with n_windows == true_len
        pred_at = window_max[:, 1:true_len - 1]  # values at maxima candidate indices 1..true_len-2
    else:
        idxs = jnp.arange(1, true_len - 1) // scale_factor
        pred_at = jnp.take(y_pred, idxs, axis=1)

    ori_at = y_ori[:, 1:true_len - 1]
    sq = (pred_at - ori_at) ** 2
    m = maxima_mask.astype(y_pred.dtype)
    cnt = jnp.sum(m, axis=1)
    batch_loss = jnp.sum(m * sq, axis=1) / jnp.maximum(cnt, 1.0)
    valid = (cnt > 0).astype(y_pred.dtype)
    total = jnp.sum(batch_loss * valid) / jnp.maximum(jnp.sum(valid), 1.0)
    return total

if __name__ == "__main__":
    import jax
    _d = setup_inputs()
    print(jax.jit(kernel)(*tuple(_d.values())))

</pallas_src>

<mosaic_0001>
#map = affine_map<(d0, d1) -> (0, 0)>
module attributes {stable_mosaic.version = 14 : i64} {
  func.func @_sc_body(%arg0: i32, %arg1: i32, %arg2: memref<1024x8192xf32, #tpu.memory_space<hbm>>, %arg3: memref<1024x2048xf32, #tpu.memory_space<hbm>>, %arg4: memref<32x16xf32, #tpu.memory_space<hbm>>, %arg5: memref<8192xf32, #tpu.memory_space<vmem>>, %arg6: memref<8192xf32, #tpu.memory_space<vmem>>, %arg7: memref<2064xf32, #tpu.memory_space<vmem>>, %arg8: memref<2064xf32, #tpu.memory_space<vmem>>, %arg9: memref<512xf32, #tpu.memory_space<vmem>>, %arg10: memref<16xf32, #tpu.memory_space<vmem>>, %arg11: memref<!tpu.dma_semaphore, #tpu.memory_space<semaphore_mem>>, %arg12: memref<!tpu.dma_semaphore, #tpu.memory_space<semaphore_mem>>, %arg13: memref<!tpu.dma_semaphore, #tpu.memory_space<semaphore_mem>>, %arg14: memref<!tpu.dma_semaphore, #tpu.memory_space<semaphore_mem>>) attributes {dimension_semantics = [#tpu.dimension_semantics<core_parallel>, #tpu.dimension_semantics<subcore_parallel>], iteration_bounds = array<i64: 2, 16>, scalar_prefetch = 0 : i64, scratch_operands = 10 : i64, tpu.core_type = #tpu.core_type<sc_vector_subcore>, window_params = [{transform_indices = #map}, {transform_indices = #map}, {transform_indices = #map}]} {
    %mul3A = arith.constant 2 : i32
    %mul3A_0 = arith.muli %arg1, %mul3A : i32
    %add3A = arith.addi %mul3A_0, %arg0 : i32
    %iota3A = tpu.iota {dimensions = array<i32: 0>} : vector<16xi32>
    %mul3A_1 = arith.constant 16 : i32
    %mul3A_2 = arith.muli %add3A, %mul3A_1 : i32
    %add3A_3 = arith.constant 16 : i32
    %add3A_4 = arith.addi %mul3A_2, %add3A_3 : i32
    %sub3A = arith.constant 1 : i32
    %sub3A_5 = arith.subi %add3A_4, %sub3A : i32
    %broadcast_in_dim3A = arith.constant 0.000000e+00 : f32
    %broadcast_in_dim3A_6 = vector.broadcast %broadcast_in_dim3A : f32 to vector<16xf32>
    %swap3A = arith.constant 2048 : index
    %swap3A_7 = tpu.vector_load %arg7[%swap3A] {strides = array<i32>} : memref<2064xf32, #tpu.memory_space<vmem>>, vector<16xf32>,
    tpu.vector_store %arg7[%swap3A], %broadcast_in_dim3A_6 {strides = array<i32>} : memref<2064xf32, #tpu.memory_space<vmem>>, vector<16xf32>,
    %swap3A_8 = arith.constant 2048 : index
    %swap3A_9 = tpu.vector_load %arg8[%swap3A_8] {strides = array<i32>} : memref<2064xf32, #tpu.memory_space<vmem>>, vector<16xf32>,
    tpu.vector_store %arg8[%swap3A_8], %broadcast_in_dim3A_6 {strides = array<i32>} : memref<2064xf32, #tpu.memory_space<vmem>>, vector<16xf32>,
    %dma_start3A = arith.constant 0 : i32
    %dma_start3A_10 = tpu.memref_slice %arg2[%mul3A_2, %dma_start3A] : memref<1024x8192xf32, #tpu.memory_space<hbm>> -> memref<1x8192xf32, #tpu.memory_space<hbm>>
    %dma_start3A_11 = tpu.memref_squeeze %dma_start3A_10 : memref<1x8192xf32, #tpu.memory_space<hbm>> -> memref<8192xf32, #tpu.memory_space<hbm>>
    %dma_start3A_12 = arith.constant 0 : i32
    %dma_start3A_13 = tpu.memref_slice %arg2[%mul3A_2, %dma_start3A_12] : memref<1024x8192xf32, #tpu.memory_space<hbm>> -> memref<1x8192xf32, #tpu.memory_space<hbm>>
    %dma_start3A_14 = tpu.memref_squeeze %dma_start3A_13 : memref<1x8192xf32, #tpu.memory_space<hbm>> -> memref<8192xf32, #tpu.memory_space<hbm>>
    tpu.enqueue_dma source(%dma_start3A_14 : memref<8192xf32, #tpu.memory_space<hbm>>) target(%arg5 : memref<8192xf32, #tpu.memory_space<vmem>>) target_semaphore(%arg11 : memref<!tpu.dma_semaphore, #tpu.memory_space<semaphore_mem>>)
    %dma_start3A_15 = arith.constant 0 : i32
    %dma_start3A_16 = tpu.memref_slice %arg7[%dma_start3A_15] : memref<2064xf32, #tpu.memory_space<vmem>> -> memref<2048xf32, #tpu.memory_space<vmem>>
    %dma_start3A_17 = arith.constant 0 : i32
    %dma_start3A_18 = tpu.memref_slice %arg3[%mul3A_2, %dma_start3A_17] : memref<1024x2048xf32, #tpu.memory_space<hbm>> -> memref<1x2048xf32, #tpu.memory_space<hbm>>
    %dma_start3A_19 = tpu.memref_squeeze %dma_start3A_18 : memref<1x2048xf32, #tpu.memory_space<hbm>> -> memref<2048xf32, #tpu.memory_space<hbm>>
    %dma_start3A_20 = arith.constant 0 : i32
    %dma_start3A_21 = tpu.memref_slice %arg7[%dma_start3A_20] : memref<2064xf32, #tpu.memory_space<vmem>> -> memref<2048xf32, #tpu.memory_space<vmem>>
    %dma_start3A_22 = arith.constant 0 : i32
    %dma_start3A_23 = tpu.memref_slice %arg3[%mul3A_2, %dma_start3A_22] : memref<1024x2048xf32, #tpu.memory_space<hbm>> -> memref<1x2048xf32, #tpu.memory_space<hbm>>
    %dma_start3A_24 = tpu.memref_squeeze %dma_start3A_23 : memref<1x2048xf32, #tpu.memory_space<hbm>> -> memref<2048xf32, #tpu.memory_space<hbm>>
    tpu.enqueue_dma source(%dma_start3A_24 : memref<2048xf32, #tpu.memory_space<hbm>>) target(%dma_start3A_21 : memref<2048xf32, #tpu.memory_space<vmem>>) target_semaphore(%arg12 : memref<!tpu.dma_semaphore, #tpu.memory_space<semaphore_mem>>)
    %add3A_25 = arith.constant 1 : i32
    %add3A_26 = arith.addi %mul3A_2, %add3A_25 : i32
    %dma_start3A_27 = arith.constant 0 : i32
    %dma_start3A_28 = tpu.memref_slice %arg2[%add3A_26, %dma_start3A_27] : memref<1024x8192xf32, #tpu.memory_space<hbm>> -> memref<1x8192xf32, #tpu.memory_space<hbm>>
    %dma_start3A_29 = tpu.memref_squeeze %dma_start3A_28 : memref<1x8192xf32, #tpu.memory_space<hbm>> -> memref<8192xf32, #tpu.memory_space<hbm>>
    %dma_start3A_30 = arith.constant 0 : i32
    %dma_start3A_31 = tpu.memref_slice %arg2[%add3A_26, %dma_start3A_30] : memref<1024x8192xf32, #tpu.memory_space<hbm>> -> memref<1x8192xf32, #tpu.memory_space<hbm>>
    %dma_start3A_32 = tpu.memref_squeeze %dma_start3A_31 : memref<1x8192xf32, #tpu.memory_space<hbm>> -> memref<8192xf32, #tpu.memory_space<hbm>>
    tpu.enqueue_dma source(%dma_start3A_32 : memref<8192xf32, #tpu.memory_space<hbm>>) target(%arg6 : memref<8192xf32, #tpu.memory_space<vmem>>) target_semaphore(%arg13 : memref<!tpu.dma_semaphore, #tpu.memory_space<semaphore_mem>>)
    %dma_start3A_33 = arith.constant 0 : i32
    %dma_start3A_34 = tpu.memref_slice %arg8[%dma_start3A_33] : memref<2064xf32, #tpu.memory_space<vmem>> -> memref<2048xf32, #tpu.memory_space<vmem>>
    %dma_start3A_35 = arith.constant 0 : i32
    %dma_start3A_36 = tpu.memref_slice %arg3[%add3A_26, %dma_start3A_35] : memref<1024x2048xf32, #tpu.memory_space<hbm>> -> memref<1x2048xf32, #tpu.memory_space<hbm>>
    %dma_start3A_37 = tpu.memref_squeeze %dma_start3A_36 : memref<1x2048xf32, #tpu.memory_space<hbm>> -> memref<2048xf32, #tpu.memory_space<hbm>>
    %dma_start3A_38 = arith.constant 0 : i32
    %dma_start3A_39 = tpu.memref_slice %arg8[%dma_start3A_38] : memref<2064xf32, #tpu.memory_space<vmem>> -> memref<2048xf32, #tpu.memory_space<vmem>>
    %dma_start3A_40 = arith.constant 0 : i32
    %dma_start3A_41 = tpu.memref_slice %arg3[%add3A_26, %dma_start3A_40] : memref<1024x2048xf32, #tpu.memory_space<hbm>> -> memref<1x2048xf32, #tpu.memory_space<hbm>>
    %dma_start3A_42 = tpu.memref_squeeze %dma_start3A_41 : memref<1x2048xf32, #tpu.memory_space<hbm>> -> memref<2048xf32, #tpu.memory_space<hbm>>
    tpu.enqueue_dma source(%dma_start3A_42 : memref<2048xf32, #tpu.memory_space<hbm>>) target(%dma_start3A_39 : memref<2048xf32, #tpu.memory_space<vmem>>) target_semaphore(%arg14 : memref<!tpu.dma_semaphore, #tpu.memory_space<semaphore_mem>>)
    %scan3A = arith.constant 0 : i32
    %scan3A_43 = arith.constant 0 : i32
    %scan3A_44 = arith.constant 8 : i32
    %scan3A_45 = arith.addi %scan3A_43, %scan3A_44 : i32
    %scan3A_46 = arith.constant 1 : i32
    scf.for %scan3A_275 = %scan3A_43 to %scan3A_45 step %scan3A_46  : i32 {
      %mul3A_276 = arith.constant 2 : i32
      %mul3A_277 = arith.muli %mul3A_276, %scan3A_275 : i32
      %dma_wait3A_278 = arith.constant 0 : i32
      %dma_wait3A_279 = arith.constant 0 : i32
      %dma_wait3A_280 = tpu.memref_slice %arg2[%dma_wait3A_278, %dma_wait3A_279] : memref<1024x8192xf32, #tpu.memory_space<hbm>> -> memref<1x8192xf32, #tpu.memory_space<hbm>>
      %dma_wait3A_281 = tpu.memref_squeeze %dma_wait3A_280 : memref<1x8192xf32, #tpu.memory_space<hbm>> -> memref<8192xf32, #tpu.memory_space<hbm>>
      %dma_wait3A_282 = arith.constant 0 : i32
      %dma_wait3A_283 = tpu.memref_slice %arg2[%dma_wait3A_278, %dma_wait3A_282] : memref<1024x8192xf32, #tpu.memory_space<hbm>> -> memref<1x8192xf32, #tpu.memory_space<hbm>>
      %dma_wait3A_284 = tpu.memref_squeeze %dma_wait3A_283 : memref<1x8192xf32, #tpu.memory_space<hbm>> -> memref<8192xf32, #tpu.memory_space<hbm>>
      tpu.wait_dma2 semaphore(%arg11 : memref<!tpu.dma_semaphore, #tpu.memory_space<semaphore_mem>>) src(%dma_wait3A_284 : memref<8192xf32, #tpu.memory_space<hbm>>) dst(%arg5 : memref<8192xf32, #tpu.memory_space<vmem>>)
      %dma_wait3A_285 = arith.constant 0 : i32
      %dma_wait3A_286 = arith.constant 0 : i32
      %dma_wait3A_287 = tpu.memref_slice %arg7[%dma_wait3A_286] : memref<2064xf32, #tpu.memory_space<vmem>> -> memref<2048xf32, #tpu.memory_space<vmem>>
      %dma_wait3A_288 = arith.constant 0 : i32
      %dma_wait3A_289 = tpu.memref_slice %arg3[%dma_wait3A_285, %dma_wait3A_288] : memref<1024x2048xf32, #tpu.memory_space<hbm>> -> memref<1x2048xf32, #tpu.memory_space<hbm>>
      %dma_wait3A_290 = tpu.memref_squeeze %dma_wait3A_289 : memref<1x2048xf32, #tpu.memory_space<hbm>> -> memref<2048xf32, #tpu.memory_space<hbm>>
      %dma_wait3A_291 = arith.constant 0 : i32
      %dma_wait3A_292 = tpu.memref_slice %arg7[%dma_wait3A_291] : memref<2064xf32, #tpu.memory_space<vmem>> -> memref<2048xf32, #tpu.memory_space<vmem>>
      %dma_wait3A_293 = arith.constant 0 : i32
      %dma_wait3A_294 = tpu.memref_slice %arg3[%dma_wait3A_285, %dma_wait3A_293] : memref<1024x2048xf32, #tpu.memory_space<hbm>> -> memref<1x2048xf32, #tpu.memory_space<hbm>>
      %dma_wait3A_295 = tpu.memref_squeeze %dma_wait3A_294 : memref<1x2048xf32, #tpu.memory_space<hbm>> -> memref<2048xf32, #tpu.memory_space<hbm>>
      tpu.wait_dma2 semaphore(%arg12 : memref<!tpu.dma_semaphore, #tpu.memory_space<semaphore_mem>>) src(%dma_wait3A_295 : memref<2048xf32, #tpu.memory_space<hbm>>) dst(%dma_wait3A_292 : memref<2048xf32, #tpu.memory_space<vmem>>)
      %add3A_296 = arith.constant 1 : i32
      %add3A_297 = vector.broadcast %add3A_296 : i32 to vector<16xi32>
      %add3A_298 = arith.addi %iota3A, %add3A_297 : vector<16xi32>
      %mul3A_299 = arith.constant 4 : i32
      %mul3A_300 = vector.broadcast %mul3A_299 : i32 to vector<16xi32>
      %mul3A_301 = arith.muli %add3A_298, %mul3A_300 : vector<16xi32>
      %scan3A_302 = arith.constant 0 : i32
      %scan3A_303 = arith.constant 126 : i32
      %scan3A_304 = arith.addi %scan3A_302, %scan3A_303 : i32
      %scan3A_305 = arith.constant 2 : i32
      %scan3A_306:3 = scf.for %scan3A_624 = %scan3A_302 to %scan3A_304 step %scan3A_305 iter_args(%scan3A_625 = %broadcast_in_dim3A_6, %scan3A_626 = %broadcast_in_dim3A_6, %scan3A_627 = %mul3A_301) -> (vector<16xf32>, vector<16xf32>, vector<16xi32>)  : i32 {
        %mul3A_628 = arith.constant 16 : i32
        %mul3A_629 = arith.muli %scan3A_624, %mul3A_628 : i32
        %add3A_630 = arith.constant 1 : i32
        %add3A_631 = arith.addi %add3A_630, %mul3A_629 : i32
        %sub3A_632 = arith.constant 1 : i32
        %sub3A_633 = arith.subi %add3A_631, %sub3A_632 : i32
        %get3A_634 = arith.index_cast %sub3A_633 : i32 to index
        %get3A_635 = tpu.vector_load %arg7[%get3A_634] {strides = array<i32>} : memref<2064xf32, #tpu.memory_space<vmem>>, vector<16xf32>,
        %get3A_636 = arith.index_cast %add3A_631 : i32 to index
        %get3A_637 = tpu.vector_load %arg7[%get3A_636] {strides = array<i32>} : memref<2064xf32, #tpu.memory_space<vmem>>, vector<16xf32>,
        %add3A_638 = arith.constant 1 : i32
        %add3A_639 = arith.addi %add3A_631, %add3A_638 : i32
        %get3A_640 = arith.index_cast %add3A_639 : i32 to index
        %get3A_641 = tpu.vector_load %arg7[%get3A_640] {strides = array<i32>} : memref<2064xf32, #tpu.memory_space<vmem>>, vector<16xf32>,
        %sub3A_642 = arith.subf %get3A_637, %get3A_635 : vector<16xf32>
        %sub3A_643 = arith.subf %get3A_641, %get3A_637 : vector<16xf32>
        %mul3A_644 = arith.mulf %sub3A_642, %sub3A_643 : vector<16xf32>
        %lt3A_645 = arith.constant 0.000000e+00 : f32
        %lt3A_646 = vector.broadcast %lt3A_645 : f32 to vector<16xf32>
        %lt3A_647 = arith.cmpf olt, %mul3A_644, %lt3A_646 : vector<16xf32>
        %gt3A_648 = arith.constant 0.000000e+00 : f32
        %gt3A_649 = vector.broadcast %gt3A_648 : f32 to vector<16xf32>
        %gt3A_650 = arith.cmpf ogt, %sub3A_642, %gt3A_649 : vector<16xf32>
        %and3A_651 = arith.andi %lt3A_647, %gt3A_650 : vector<16xi1>
        %gather3A_652 = tpu.vector_load_idx %arg5[%scan3A_627] : memref<8192xf32, #tpu.memory_space<vmem>>[vector<16xi32>], vector<16xf32>,
        %add3A_653 = arith.constant 1 : i32
        %add3A_654 = vector.broadcast %add3A_653 : i32 to vector<16xi32>
        %add3A_655 = arith.addi %scan3A_627, %add3A_654 : vector<16xi32>
        %gather3A_656 = tpu.vector_load_idx %arg5[%add3A_655] : memref<8192xf32, #tpu.memory_space<vmem>>[vector<16xi32>], vector<16xf32>,
        %add3A_657 = arith.constant 2 : i32
        %add3A_658 = vector.broadcast %add3A_657 : i32 to vector<16xi32>
        %add3A_659 = arith.addi %scan3A_627, %add3A_658 : vector<16xi32>
        %gather3A_660 = tpu.vector_load_idx %arg5[%add3A_659] : memref<8192xf32, #tpu.memory_space<vmem>>[vector<16xi32>], vector<16xf32>,
        %add3A_661 = arith.constant 3 : i32
        %add3A_662 = vector.broadcast %add3A_661 : i32 to vector<16xi32>
        %add3A_663 = arith.addi %scan3A_627, %add3A_662 : vector<16xi32>
        %gather3A_664 = tpu.vector_load_idx %arg5[%add3A_663] : memref<8192xf32, #tpu.memory_space<vmem>>[vector<16xi32>], vector<16xf32>,
        %max3A_665 = arith.maximumf %gather3A_652, %gather3A_656 : vector<16xf32>
        %max3A_666 = arith.maximumf %gather3A_660, %gather3A_664 : vector<16xf32>
        %max3A_667 = arith.maximumf %max3A_665, %max3A_666 : vector<16xf32>
        %sub3A_668 = arith.subf %max3A_667, %get3A_637 : vector<16xf32>
        %mul3A_669 = arith.mulf %sub3A_668, %sub3A_668 : vector<16xf32>
        %jit3A_670 = arith.constant 0.000000e+00 : f32
        %broadcast_in_dim3A_671 = vector.broadcast %jit3A_670 : f32 to vector<16xf32>
        %select_n3A_672 = arith.select %and3A_651, %mul3A_669, %broadcast_in_dim3A_671 : vector<16xi1>, vector<16xf32>
        %add3A_673 = arith.addf %scan3A_625, %select_n3A_672 : vector<16xf32>
        %jit3A_674 = arith.constant 1.000000e+00 : f32
        %jit3A_675 = arith.constant 0.000000e+00 : f32
        %broadcast_in_dim3A_676 = vector.broadcast %jit3A_674 : f32 to vector<16xf32>
        %broadcast_in_dim3A_677 = vector.broadcast %jit3A_675 : f32 to vector<16xf32>
        %select_n3A_678 = arith.select %and3A_651, %broadcast_in_dim3A_676, %broadcast_in_dim3A_677 : vector<16xi1>, vector<16xf32>
        %add3A_679 = arith.addf %scan3A_626, %select_n3A_678 : vector<16xf32>
        %add3A_680 = arith.constant 64 : i32
        %add3A_681 = vector.broadcast %add3A_680 : i32 to vector<16xi32>
        %add3A_682 = arith.addi %scan3A_627, %add3A_681 : vector<16xi32>
        %scan3A_683 = arith.constant 1 : i32
        %scan3A_684 = arith.addi %scan3A_624, %scan3A_683 : i32
        %mul3A_685 = arith.constant 16 : i32
        %mul3A_686 = arith.muli %scan3A_684, %mul3A_685 : i32
        %add3A_687 = arith.constant 1 : i32
        %add3A_688 = arith.addi %add3A_687, %mul3A_686 : i32
        %sub3A_689 = arith.constant 1 : i32
        %sub3A_690 = arith.subi %add3A_688, %sub3A_689 : i32
        %get3A_691 = arith.index_cast %sub3A_690 : i32 to index
        %get3A_692 = tpu.vector_load %arg7[%get3A_691] {strides = array<i32>} : memref<2064xf32, #tpu.memory_space<vmem>>, vector<16xf32>,
        %get3A_693 = arith.index_cast %add3A_688 : i32 to index
        %get3A_694 = tpu.vector_load %arg7[%get3A_693] {strides = array<i32>} : memref<2064xf32, #tpu.memory_space<vmem>>, vector<16xf32>,
        %add3A_695 = arith.constant 1 : i32
        %add3A_696 = arith.addi %add3A_688, %add3A_695 : i32
        %get3A_697 = arith.index_cast %add3A_696 : i32 to index
        %get3A_698 = tpu.vector_load %arg7[%get3A_697] {strides = array<i32>} : memref<2064xf32, #tpu.memory_space<vmem>>, vector<16xf32>,
        %sub3A_699 = arith.subf %get3A_694, %get3A_692 : vector<16xf32>
        %sub3A_700 = arith.subf %get3A_698, %get3A_694 : vector<16xf32>
        %mul3A_701 = arith.mulf %sub3A_699, %sub3A_700 : vector<16xf32>
        %lt3A_702 = arith.constant 0.000000e+00 : f32
        %lt3A_703 = vector.broadcast %lt3A_702 : f32 to vector<16xf32>
        %lt3A_704 = arith.cmpf olt, %mul3A_701, %lt3A_703 : vector<16xf32>
        %gt3A_705 = arith.constant 0.000000e+00 : f32
        %gt3A_706 = vector.broadcast %gt3A_705 : f32 to vector<16xf32>
        %gt3A_707 = arith.cmpf ogt, %sub3A_699, %gt3A_706 : vector<16xf32>
        %and3A_708 = arith.andi %lt3A_704, %gt3A_707 : vector<16xi1>
        %gather3A_709 = tpu.vector_load_idx %arg5[%add3A_682] : memref<8192xf32, #tpu.memory_space<vmem>>[vector<16xi32>], vector<16xf32>,
        %add3A_710 = arith.constant 1 : i32
        %add3A_711 = vector.broadcast %add3A_710 : i32 to vector<16xi32>
        %add3A_712 = arith.addi %add3A_682, %add3A_711 : vector<16xi32>
        %gather3A_713 = tpu.vector_load_idx %arg5[%add3A_712] : memref<8192xf32, #tpu.memory_space<vmem>>[vector<16xi32>], vector<16xf32>,
        %add3A_714 = arith.constant 2 : i32
        %add3A_715 = vector.broadcast %add3A_714 : i32 to vector<16xi32>
        %add3A_716 = arith.addi %add3A_682, %add3A_715 : vector<16xi32>
        %gather3A_717 = tpu.vector_load_idx %arg5[%add3A_716] : memref<8192xf32, #tpu.memory_space<vmem>>[vector<16xi32>], vector<16xf32>,
        %add3A_718 = arith.constant 3 : i32
        %add3A_719 = vector.broadcast %add3A_718 : i32 to vector<16xi32>
        %add3A_720 = arith.addi %add3A_682, %add3A_719 : vector<16xi32>
        %gather3A_721 = tpu.vector_load_idx %arg5[%add3A_720] : memref<8192xf32, #tpu.memory_space<vmem>>[vector<16xi32>], vector<16xf32>,
        %max3A_722 = arith.maximumf %gather3A_709, %gather3A_713 : vector<16xf32>
        %max3A_723 = arith.maximumf %gather3A_717, %gather3A_721 : vector<16xf32>
        %max3A_724 = arith.maximumf %max3A_722, %max3A_723 : vector<16xf32>
        %sub3A_725 = arith.subf %max3A_724, %get3A_694 : vector<16xf32>
        %mul3A_726 = arith.mulf %sub3A_725, %sub3A_725 : vector<16xf32>
        %jit3A_727 = arith.constant 0.000000e+00 : f32
        %broadcast_in_dim3A_728 = vector.broadcast %jit3A_727 : f32 to vector<16xf32>
        %select_n3A_729 = arith.select %and3A_708, %mul3A_726, %broadcast_in_dim3A_728 : vector<16xi1>, vector<16xf32>
        %add3A_730 = arith.addf %add3A_673, %select_n3A_729 : vector<16xf32>
        %jit3A_731 = arith.constant 1.000000e+00 : f32
        %jit3A_732 = arith.constant 0.000000e+00 : f32
        %broadcast_in_dim3A_733 = vector.broadcast %jit3A_731 : f32 to vector<16xf32>
        %broadcast_in_dim3A_734 = vector.broadcast %jit3A_732 : f32 to vector<16xf32>
        %select_n3A_735 = arith.select %and3A_708, %broadcast_in_dim3A_733, %broadcast_in_dim3A_734 : vector<16xi1>, vector<16xf32>
        %add3A_736 = arith.addf %add3A_679, %select_n3A_735 : vector<16xf32>
        %add3A_737 = arith.constant 64 : i32
        %add3A_738 = vector.broadcast %add3A_737 : i32 to vector<16xi32>
        %add3A_739 = arith.addi %add3A_682, %add3A_738 : vector<16xi32>
        scf.yield %add3A_730, %add3A_736, %add3A_739 : vector<16xf32>, vector<16xf32>, vector<16xi32>
      }
      %scan3A_307 = arith.constant 126 : i32
      %scan3A_308 = arith.addi %scan3A_302, %scan3A_307 : i32
      %mul3A_309 = arith.constant 16 : i32
      %mul3A_310 = arith.muli %scan3A_308, %mul3A_309 : i32
      %add3A_311 = arith.constant 1 : i32
      %add3A_312 = arith.addi %add3A_311, %mul3A_310 : i32
      %sub3A_313 = arith.constant 1 : i32
      %sub3A_314 = arith.subi %add3A_312, %sub3A_313 : i32
      %get3A = arith.index_cast %sub3A_314 : i32 to index
      %get3A_315 = tpu.vector_load %arg7[%get3A] {strides = array<i32>} : memref<2064xf32, #tpu.memory_space<vmem>>, vector<16xf32>,
      %get3A_316 = arith.index_cast %add3A_312 : i32 to index
      %get3A_317 = tpu.vector_load %arg7[%get3A_316] {strides = array<i32>} : memref<2064xf32, #tpu.memory_space<vmem>>, vector<16xf32>,
      %add3A_318 = arith.constant 1 : i32
      %add3A_319 = arith.addi %add3A_312, %add3A_318 : i32
      %get3A_320 = arith.index_cast %add3A_319 : i32 to index
      %get3A_321 = tpu.vector_load %arg7[%get3A_320] {strides = array<i32>} : memref<2064xf32, #tpu.memory_space<vmem>>, vector<16xf32>,
      %sub3A_322 = arith.subf %get3A_317, %get3A_315 : vector<16xf32>
      %sub3A_323 = arith.subf %get3A_321, %get3A_317 : vector<16xf32>
      %mul3A_324 = arith.mulf %sub3A_322, %sub3A_323 : vector<16xf32>
      %lt3A = arith.constant 0.000000e+00 : f32
      %lt3A_325 = vector.broadcast %lt3A : f32 to vector<16xf32>
      %lt3A_326 = arith.cmpf olt, %mul3A_324, %lt3A_325 : vector<16xf32>
      %gt3A_327 = arith.constant 0.000000e+00 : f32
      %gt3A_328 = vector.broadcast %gt3A_327 : f32 to vector<16xf32>
      %gt3A_329 = arith.cmpf ogt, %sub3A_322, %gt3A_328 : vector<16xf32>
      %and3A = arith.andi %lt3A_326, %gt3A_329 : vector<16xi1>
      %gather3A_330 = tpu.vector_load_idx %arg5[%scan3A_306#2] : memref<8192xf32, #tpu.memory_space<vmem>>[vector<16xi32>], vector<16xf32>,
      %add3A_331 = arith.constant 1 : i32
      %add3A_332 = vector.broadcast %add3A_331 : i32 to vector<16xi32>
      %add3A_333 = arith.addi %scan3A_306#2, %add3A_332 : vector<16xi32>
      %gather3A_334 = tpu.vector_load_idx %arg5[%add3A_333] : memref<8192xf32, #tpu.memory_space<vmem>>[vector<16xi32>], vector<16xf32>,
      %add3A_335 = arith.constant 2 : i32
      %add3A_336 = vector.broadcast %add3A_335 : i32 to vector<16xi32>
      %add3A_337 = arith.addi %scan3A_306#2, %add3A_336 : vector<16xi32>
      %gather3A_338 = tpu.vector_load_idx %arg5[%add3A_337] : memref<8192xf32, #tpu.memory_space<vmem>>[vector<16xi32>], vector<16xf32>,
      %add3A_339 = arith.constant 3 : i32
      %add3A_340 = vector.broadcast %add3A_339 : i32 to vector<16xi32>
      %add3A_341 = arith.addi %scan3A_306#2, %add3A_340 : vector<16xi32>
      %gather3A_342 = tpu.vector_load_idx %arg5[%add3A_341] : memref<8192xf32, #tpu.memory_space<vmem>>[vector<16xi32>], vector<16xf32>,
      %max3A_343 = arith.maximumf %gather3A_330, %gather3A_334 : vector<16xf32>
      %max3A_344 = arith.maximumf %gather3A_338, %gather3A_342 : vector<16xf32>
      %max3A_345 = arith.maximumf %max3A_343, %max3A_344 : vector<16xf32>
      %sub3A_346 = arith.subf %max3A_345, %get3A_317 : vector<16xf32>
      %mul3A_347 = arith.mulf %sub3A_346, %sub3A_346 : vector<16xf32>
      %jit3A_348 = arith.constant 0.000000e+00 : f32
      %broadcast_in_dim3A_349 = vector.broadcast %jit3A_348 : f32 to vector<16xf32>
      %select_n3A_350 = arith.select %and3A, %mul3A_347, %broadcast_in_dim3A_349 : vector<16xi1>, vector<16xf32>
      %add3A_351 = arith.addf %scan3A_306#0, %select_n3A_350 : vector<16xf32>
      %jit3A_352 = arith.constant 1.000000e+00 : f32
      %jit3A_353 = arith.constant 0.000000e+00 : f32
      %broadcast_in_dim3A_354 = vector.broadcast %jit3A_352 : f32 to vector<16xf32>
      %broadcast_in_dim3A_355 = vector.broadcast %jit3A_353 : f32 to vector<16xf32>
      %select_n3A_356 = arith.select %and3A, %broadcast_in_dim3A_354, %broadcast_in_dim3A_355 : vector<16xi1>, vector<16xf32>
      %add3A_357 = arith.addf %scan3A_306#1, %select_n3A_356 : vector<16xf32>
      %add3A_358 = arith.constant 64 : i32
      %add3A_359 = vector.broadcast %add3A_358 : i32 to vector<16xi32>
      %add3A_360 = arith.addi %scan3A_306#2, %add3A_359 : vector<16xi32>
      %scan3A_361 = arith.constant 127 : i32
      %add3A_362 = arith.constant 2033 : i32
      %add3A_363 = vector.broadcast %add3A_362 : i32 to vector<16xi32>
      %add3A_364 = arith.addi %add3A_363, %iota3A : vector<16xi32>
      %lt3A_365 = arith.constant 14 : i32
      %lt3A_366 = vector.broadcast %lt3A_365 : i32 to vector<16xi32>
      %lt3A_367 = arith.cmpi slt, %iota3A, %lt3A_366 : vector<16xi32>
      %get3A_368 = arith.constant 2032 : index
      %get3A_369 = tpu.vector_load %arg7[%get3A_368] {strides = array<i32>} : memref<2064xf32, #tpu.memory_space<vmem>>, vector<16xf32>,
      %get3A_370 = arith.constant 2033 : index
      %get3A_371 = tpu.vector_load %arg7[%get3A_370] {strides = array<i32>} : memref<2064xf32, #tpu.memory_space<vmem>>, vector<16xf32>,
      %get3A_372 = arith.constant 2034 : index
      %get3A_373 = tpu.vector_load %arg7[%get3A_372] {strides = array<i32>} : memref<2064xf32, #tpu.memory_space<vmem>>, vector<16xf32>,
      %sub3A_374 = arith.subf %get3A_371, %get3A_369 : vector<16xf32>
      %sub3A_375 = arith.subf %get3A_373, %get3A_371 : vector<16xf32>
      %mul3A_376 = arith.mulf %sub3A_374, %sub3A_375 : vector<16xf32>
      %lt3A_377 = arith.constant 0.000000e+00 : f32
      %lt3A_378 = vector.broadcast %lt3A_377 : f32 to vector<16xf32>
      %lt3A_379 = arith.cmpf olt, %mul3A_376, %lt3A_378 : vector<16xf32>
      %gt3A_380 = arith.constant 0.000000e+00 : f32
      %gt3A_381 = vector.broadcast %gt3A_380 : f32 to vector<16xf32>
      %gt3A_382 = arith.cmpf ogt, %sub3A_374, %gt3A_381 : vector<16xf32>
      %and3A_383 = arith.andi %lt3A_379, %gt3A_382 : vector<16xi1>
      %and3A_384 = arith.andi %and3A_383, %lt3A_367 : vector<16xi1>
      %min3A = arith.constant 2046 : i32
      %min3A_385 = vector.broadcast %min3A : i32 to vector<16xi32>
      %min3A_386 = arith.minsi %add3A_364, %min3A_385 : vector<16xi32>
      %mul3A_387 = arith.constant 4 : i32
      %mul3A_388 = vector.broadcast %mul3A_387 : i32 to vector<16xi32>
      %mul3A_389 = arith.muli %min3A_386, %mul3A_388 : vector<16xi32>
      %gather3A_390 = tpu.vector_load_idx %arg5[%mul3A_389] : memref<8192xf32, #tpu.memory_space<vmem>>[vector<16xi32>], vector<16xf32>,
      %add3A_391 = arith.constant 1 : i32
      %add3A_392 = vector.broadcast %add3A_391 : i32 to vector<16xi32>
      %add3A_393 = arith.addi %mul3A_389, %add3A_392 : vector<16xi32>
      %gather3A_394 = tpu.vector_load_idx %arg5[%add3A_393] : memref<8192xf32, #tpu.memory_space<vmem>>[vector<16xi32>], vector<16xf32>,
      %add3A_395 = arith.constant 2 : i32
      %add3A_396 = vector.broadcast %add3A_395 : i32 to vector<16xi32>
      %add3A_397 = arith.addi %mul3A_389, %add3A_396 : vector<16xi32>
      %gather3A_398 = tpu.vector_load_idx %arg5[%add3A_397] : memref<8192xf32, #tpu.memory_space<vmem>>[vector<16xi32>], vector<16xf32>,
      %add3A_399 = arith.constant 3 : i32
      %add3A_400 = vector.broadcast %add3A_399 : i32 to vector<16xi32>
      %add3A_401 = arith.addi %mul3A_389, %add3A_400 : vector<16xi32>
      %gather3A_402 = tpu.vector_load_idx %arg5[%add3A_401] : memref<8192xf32, #tpu.memory_space<vmem>>[vector<16xi32>], vector<16xf32>,
      %max3A_403 = arith.maximumf %gather3A_390, %gather3A_394 : vector<16xf32>
      %max3A_404 = arith.maximumf %gather3A_398, %gather3A_402 : vector<16xf32>
      %max3A_405 = arith.maximumf %max3A_403, %max3A_404 : vector<16xf32>
      %sub3A_406 = arith.subf %max3A_405, %get3A_371 : vector<16xf32>
      %mul3A_407 = arith.mulf %sub3A_406, %sub3A_406 : vector<16xf32>
      %jit3A_408 = arith.constant 0.000000e+00 : f32
      %broadcast_in_dim3A_409 = vector.broadcast %jit3A_408 : f32 to vector<16xf32>
      %select_n3A_410 = arith.select %and3A_384, %mul3A_407, %broadcast_in_dim3A_409 : vector<16xi1>, vector<16xf32>
      %add3A_411 = arith.addf %add3A_351, %select_n3A_410 : vector<16xf32>
      %jit3A_412 = arith.constant 1.000000e+00 : f32
      %jit3A_413 = arith.constant 0.000000e+00 : f32
      %broadcast_in_dim3A_414 = vector.broadcast %jit3A_412 : f32 to vector<16xf32>
      %broadcast_in_dim3A_415 = vector.broadcast %jit3A_413 : f32 to vector<16xf32>
      %select_n3A_416 = arith.select %and3A_384, %broadcast_in_dim3A_414, %broadcast_in_dim3A_415 : vector<16xi1>, vector<16xf32>
      %add3A_417 = arith.addf %add3A_357, %select_n3A_416 : vector<16xf32>
      %mul3A_418 = arith.constant 16 : i32
      %mul3A_419 = arith.muli %mul3A_277, %mul3A_418 : i32
      %swap3A_420 = arith.index_cast %mul3A_419 : i32 to index
      %swap3A_421 = tpu.vector_load %arg9[%swap3A_420] {strides = array<i32>} : memref<512xf32, #tpu.memory_space<vmem>>, vector<16xf32>,
      tpu.vector_store %arg9[%swap3A_420], %add3A_411 {strides = array<i32>} : memref<512xf32, #tpu.memory_space<vmem>>, vector<16xf32>,
      %add3A_422 = arith.constant 16 : i32
      %add3A_423 = arith.addi %add3A_422, %mul3A_277 : i32
      %mul3A_424 = arith.constant 16 : i32
      %mul3A_425 = arith.muli %add3A_423, %mul3A_424 : i32
      %swap3A_426 = arith.index_cast %mul3A_425 : i32 to index
      %swap3A_427 = tpu.vector_load %arg9[%swap3A_426] {strides = array<i32>} : memref<512xf32, #tpu.memory_space<vmem>>, vector<16xf32>,
      tpu.vector_store %arg9[%swap3A_426], %add3A_417 {strides = array<i32>} : memref<512xf32, #tpu.memory_space<vmem>>, vector<16xf32>,
      %add3A_428 = arith.addi %mul3A_2, %mul3A_277 : i32
      %add3A_429 = arith.constant 2 : i32
      %add3A_430 = arith.addi %add3A_428, %add3A_429 : i32
      %min3A_431 = arith.minsi %add3A_430, %sub3A_5 : i32
      %dma_start3A_432 = arith.constant 0 : i32
      %dma_start3A_433 = tpu.memref_slice %arg2[%min3A_431, %dma_start3A_432] : memref<1024x8192xf32, #tpu.memory_space<hbm>> -> memref<1x8192xf32, #tpu.memory_space<hbm>>
      %dma_start3A_434 = tpu.memref_squeeze %dma_start3A_433 : memref<1x8192xf32, #tpu.memory_space<hbm>> -> memref<8192xf32, #tpu.memory_space<hbm>>
      %dma_start3A_435 = arith.constant 0 : i32
      %dma_start3A_436 = tpu.memref_slice %arg2[%min3A_431, %dma_start3A_435] : memref<1024x8192xf32, #tpu.memory_space<hbm>> -> memref<1x8192xf32, #tpu.memory_space<hbm>>
      %dma_start3A_437 = tpu.memref_squeeze %dma_start3A_436 : memref<1x8192xf32, #tpu.memory_space<hbm>> -> memref<8192xf32, #tpu.memory_space<hbm>>
      tpu.enqueue_dma source(%dma_start3A_437 : memref<8192xf32, #tpu.memory_space<hbm>>) target(%arg5 : memref<8192xf32, #tpu.memory_space<vmem>>) target_semaphore(%arg11 : memref<!tpu.dma_semaphore, #tpu.memory_space<semaphore_mem>>)
      %dma_start3A_438 = arith.constant 0 : i32
      %dma_start3A_439 = tpu.memref_slice %arg7[%dma_start3A_438] : memref<2064xf32, #tpu.memory_space<vmem>> -> memref<2048xf32, #tpu.memory_space<vmem>>
      %dma_start3A_440 = arith.constant 0 : i32
      %dma_start3A_441 = tpu.memref_slice %arg3[%min3A_431, %dma_start3A_440] : memref<1024x2048xf32, #tpu.memory_space<hbm>> -> memref<1x2048xf32, #tpu.memory_space<hbm>>
      %dma_start3A_442 = tpu.memref_squeeze %dma_start3A_441 : memref<1x2048xf32, #tpu.memory_space<hbm>> -> memref<2048xf32, #tpu.memory_space<hbm>>
      %dma_start3A_443 = arith.constant 0 : i32
      %dma_start3A_444 = tpu.memref_slice %arg7[%dma_start3A_443] : memref<2064xf32, #tpu.memory_space<vmem>> -> memref<2048xf32, #tpu.memory_space<vmem>>
      %dma_start3A_445 = arith.constant 0 : i32
      %dma_start3A_446 = tpu.memref_slice %arg3[%min3A_431, %dma_start3A_445] : memref<1024x2048xf32, #tpu.memory_space<hbm>> -> memref<1x2048xf32, #tpu.memory_space<hbm>>
      %dma_start3A_447 = tpu.memref_squeeze %dma_start3A_446 : memref<1x2048xf32, #tpu.memory_space<hbm>> -> memref<2048xf32, #tpu.memory_space<hbm>>
      tpu.enqueue_dma source(%dma_start3A_447 : memref<2048xf32, #tpu.memory_space<hbm>>) target(%dma_start3A_444 : memref<2048xf32, #tpu.memory_space<vmem>>) target_semaphore(%arg12 : memref<!tpu.dma_semaphore, #tpu.memory_space<semaphore_mem>>)
      %dma_wait3A_448 = arith.constant 0 : i32
      %dma_wait3A_449 = arith.constant 0 : i32
      %dma_wait3A_450 = tpu.memref_slice %arg2[%dma_wait3A_448, %dma_wait3A_449] : memref<1024x8192xf32, #tpu.memory_space<hbm>> -> memref<1x8192xf32, #tpu.memory_space<hbm>>
      %dma_wait3A_451 = tpu.memref_squeeze %dma_wait3A_450 : memref<1x8192xf32, #tpu.memory_space<hbm>> -> memref<8192xf32, #tpu.memory_space<hbm>>
      %dma_wait3A_452 = arith.constant 0 : i32
      %dma_wait3A_453 = tpu.memref_slice %arg2[%dma_wait3A_448, %dma_wait3A_452] : memref<1024x8192xf32, #tpu.memory_space<hbm>> -> memref<1x8192xf32, #tpu.memory_space<hbm>>
      %dma_wait3A_454 = tpu.memref_squeeze %dma_wait3A_453 : memref<1x8192xf32, #tpu.memory_space<hbm>> -> memref<8192xf32, #tpu.memory_space<hbm>>
      tpu.wait_dma2 semaphore(%arg13 : memref<!tpu.dma_semaphore, #tpu.memory_space<semaphore_mem>>) src(%dma_wait3A_454 : memref<8192xf32, #tpu.memory_space<hbm>>) dst(%arg6 : memref<8192xf32, #tpu.memory_space<vmem>>)
      %dma_wait3A_455 = arith.constant 0 : i32
      %dma_wait3A_456 = arith.constant 0 : i32
      %dma_wait3A_457 = tpu.memref_slice %arg8[%dma_wait3A_456] : memref<2064xf32, #tpu.memory_space<vmem>> -> memref<2048xf32, #tpu.memory_space<vmem>>
      %dma_wait3A_458 = arith.constant 0 : i32
      %dma_wait3A_459 = tpu.memref_slice %arg3[%dma_wait3A_455, %dma_wait3A_458] : memref<1024x2048xf32, #tpu.memory_space<hbm>> -> memref<1x2048xf32, #tpu.memory_space<hbm>>
      %dma_wait3A_460 = tpu.memref_squeeze %dma_wait3A_459 : memref<1x2048xf32, #tpu.memory_space<hbm>> -> memref<2048xf32, #tpu.memory_space<hbm>>
      %dma_wait3A_461 = arith.constant 0 : i32
      %dma_wait3A_462 = tpu.memref_slice %arg8[%dma_wait3A_461] : memref<2064xf32, #tpu.memory_space<vmem>> -> memref<2048xf32, #tpu.memory_space<vmem>>
      %dma_wait3A_463 = arith.constant 0 : i32
      %dma_wait3A_464 = tpu.memref_slice %arg3[%dma_wait3A_455, %dma_wait3A_463] : memref<1024x2048xf32, #tpu.memory_space<hbm>> -> memref<1x2048xf32, #tpu.memory_space<hbm>>
      %dma_wait3A_465 = tpu.memref_squeeze %dma_wait3A_464 : memref<1x2048xf32, #tpu.memory_space<hbm>> -> memref<2048xf32, #tpu.memory_space<hbm>>
      tpu.wait_dma2 semaphore(%arg14 : memref<!tpu.dma_semaphore, #tpu.memory_space<semaphore_mem>>) src(%dma_wait3A_465 : memref<2048xf32, #tpu.memory_space<hbm>>) dst(%dma_wait3A_462 : memref<2048xf32, #tpu.memory_space<vmem>>)
      %add3A_466 = arith.constant 1 : i32
      %add3A_467 = arith.addi %mul3A_277, %add3A_466 : i32
      %add3A_468 = arith.constant 1 : i32
      %add3A_469 = vector.broadcast %add3A_468 : i32 to vector<16xi32>
      %add3A_470 = arith.addi %iota3A, %add3A_469 : vector<16xi32>
      %mul3A_471 = arith.constant 4 : i32
      %mul3A_472 = vector.broadcast %mul3A_471 : i32 to vector<16xi32>
      %mul3A_473 = arith.muli %add3A_470, %mul3A_472 : vector<16xi32>
      %scan3A_474 = arith.constant 0 : i32
      %scan3A_475 = arith.constant 126 : i32
      %scan3A_476 = arith.addi %scan3A_474, %scan3A_475 : i32
      %scan3A_477 = arith.constant 2 : i32
      %scan3A_478:3 = scf.for %scan3A_624 = %scan3A_474 to %scan3A_476 step %scan3A_477 iter_args(%scan3A_625 = %broadcast_in_dim3A_6, %scan3A_626 = %broadcast_in_dim3A_6, %scan3A_627 = %mul3A_473) -> (vector<16xf32>, vector<16xf32>, vector<16xi32>)  : i32 {
        %mul3A_628 = arith.constant 16 : i32
        %mul3A_629 = arith.muli %scan3A_624, %mul3A_628 : i32
        %add3A_630 = arith.constant 1 : i32
        %add3A_631 = arith.addi %add3A_630, %mul3A_629 : i32
        %sub3A_632 = arith.constant 1 : i32
        %sub3A_633 = arith.subi %add3A_631, %sub3A_632 : i32
        %get3A_634 = arith.index_cast %sub3A_633 : i32 to index
        %get3A_635 = tpu.vector_load %arg8[%get3A_634] {strides = array<i32>} : memref<2064xf32, #tpu.memory_space<vmem>>, vector<16xf32>,
        %get3A_636 = arith.index_cast %add3A_631 : i32 to index
        %get3A_637 = tpu.vector_load %arg8[%get3A_636] {strides = array<i32>} : memref<2064xf32, #tpu.memory_space<vmem>>, vector<16xf32>,
        %add3A_638 = arith.constant 1 : i32
        %add3A_639 = arith.addi %add3A_631, %add3A_638 : i32
        %get3A_640 = arith.index_cast %add3A_639 : i32 to index
        %get3A_641 = tpu.vector_load %arg8[%get3A_640] {strides = array<i32>} : memref<2064xf32, #tpu.memory_space<vmem>>, vector<16xf32>,
        %sub3A_642 = arith.subf %get3A_637, %get3A_635 : vector<16xf32>
        %sub3A_643 = arith.subf %get3A_641, %get3A_637 : vector<16xf32>
        %mul3A_644 = arith.mulf %sub3A_642, %sub3A_643 : vector<16xf32>
        %lt3A_645 = arith.constant 0.000000e+00 : f32
        %lt3A_646 = vector.broadcast %lt3A_645 : f32 to vector<16xf32>
        %lt3A_647 = arith.cmpf olt, %mul3A_644, %lt3A_646 : vector<16xf32>
        %gt3A_648 = arith.constant 0.000000e+00 : f32
        %gt3A_649 = vector.broadcast %gt3A_648 : f32 to vector<16xf32>
        %gt3A_650 = arith.cmpf ogt, %sub3A_642, %gt3A_649 : vector<16xf32>
        %and3A_651 = arith.andi %lt3A_647, %gt3A_650 : vector<16xi1>
        %gather3A_652 = tpu.vector_load_idx %arg6[%scan3A_627] : memref<8192xf32, #tpu.memory_space<vmem>>[vector<16xi32>], vector<16xf32>,
        %add3A_653 = arith.constant 1 : i32
        %add3A_654 = vector.broadcast %add3A_653 : i32 to vector<16xi32>
        %add3A_655 = arith.addi %scan3A_627, %add3A_654 : vector<16xi32>
        %gather3A_656 = tpu.vector_load_idx %arg6[%add3A_655] : memref<8192xf32, #tpu.memory_space<vmem>>[vector<16xi32>], vector<16xf32>,
        %add3A_657 = arith.constant 2 : i32
        %add3A_658 = vector.broadcast %add3A_657 : i32 to vector<16xi32>
        %add3A_659 = arith.addi %scan3A_627, %add3A_658 : vector<16xi32>
        %gather3A_660 = tpu.vector_load_idx %arg6[%add3A_659] : memref<8192xf32, #tpu.memory_space<vmem>>[vector<16xi32>], vector<16xf32>,
        %add3A_661 = arith.constant 3 : i32
        %add3A_662 = vector.broadcast %add3A_661 : i32 to vector<16xi32>
        %add3A_663 = arith.addi %scan3A_627, %add3A_662 : vector<16xi32>
        %gather3A_664 = tpu.vector_load_idx %arg6[%add3A_663] : memref<8192xf32, #tpu.memory_space<vmem>>[vector<16xi32>], vector<16xf32>,
        %max3A_665 = arith.maximumf %gather3A_652, %gather3A_656 : vector<16xf32>
        %max3A_666 = arith.maximumf %gather3A_660, %gather3A_664 : vector<16xf32>
        %max3A_667 = arith.maximumf %max3A_665, %max3A_666 : vector<16xf32>
        %sub3A_668 = arith.subf %max3A_667, %get3A_637 : vector<16xf32>
        %mul3A_669 = arith.mulf %sub3A_668, %sub3A_668 : vector<16xf32>
        %jit3A_670 = arith.constant 0.000000e+00 : f32
        %broadcast_in_dim3A_671 = vector.broadcast %jit3A_670 : f32 to vector<16xf32>
        %select_n3A_672 = arith.select %and3A_651, %mul3A_669, %broadcast_in_dim3A_671 : vector<16xi1>, vector<16xf32>
        %add3A_673 = arith.addf %scan3A_625, %select_n3A_672 : vector<16xf32>
        %jit3A_674 = arith.constant 1.000000e+00 : f32
        %jit3A_675 = arith.constant 0.000000e+00 : f32
        %broadcast_in_dim3A_676 = vector.broadcast %jit3A_674 : f32 to vector<16xf32>
        %broadcast_in_dim3A_677 = vector.broadcast %jit3A_675 : f32 to vector<16xf32>
        %select_n3A_678 = arith.select %and3A_651, %broadcast_in_dim3A_676, %broadcast_in_dim3A_677 : vector<16xi1>, vector<16xf32>
        %add3A_679 = arith.addf %scan3A_626, %select_n3A_678 : vector<16xf32>
        %add3A_680 = arith.constant 64 : i32
        %add3A_681 = vector.broadcast %add3A_680 : i32 to vector<16xi32>
        %add3A_682 = arith.addi %scan3A_627, %add3A_681 : vector<16xi32>
        %scan3A_683 = arith.constant 1 : i32
        %scan3A_684 = arith.addi %scan3A_624, %scan3A_683 : i32
        %mul3A_685 = arith.constant 16 : i32
        %mul3A_686 = arith.muli %scan3A_684, %mul3A_685 : i32
        %add3A_687 = arith.constant 1 : i32
        %add3A_688 = arith.addi %add3A_687, %mul3A_686 : i32
        %sub3A_689 = arith.constant 1 : i32
        %sub3A_690 = arith.subi %add3A_688, %sub3A_689 : i32
        %get3A_691 = arith.index_cast %sub3A_690 : i32 to index
        %get3A_692 = tpu.vector_load %arg8[%get3A_691] {strides = array<i32>} : memref<2064xf32, #tpu.memory_space<vmem>>, vector<16xf32>,
        %get3A_693 = arith.index_cast %add3A_688 : i32 to index
        %get3A_694 = tpu.vector_load %arg8[%get3A_693] {strides = array<i32>} : memref<2064xf32, #tpu.memory_space<vmem>>, vector<16xf32>,
        %add3A_695 = arith.constant 1 : i32
        %add3A_696 = arith.addi %add3A_688, %add3A_695 : i32
        %get3A_697 = arith.index_cast %add3A_696 : i32 to index
        %get3A_698 = tpu.vector_load %arg8[%get3A_697] {strides = array<i32>} : memref<2064xf32, #tpu.memory_space<vmem>>, vector<16xf32>,
        %sub3A_699 = arith.subf %get3A_694, %get3A_692 : vector<16xf32>
        %sub3A_700 = arith.subf %get3A_698, %get3A_694 : vector<16xf32>
        %mul3A_701 = arith.mulf %sub3A_699, %sub3A_700 : vector<16xf32>
        %lt3A_702 = arith.constant 0.000000e+00 : f32
        %lt3A_703 = vector.broadcast %lt3A_702 : f32 to vector<16xf32>
        %lt3A_704 = arith.cmpf olt, %mul3A_701, %lt3A_703 : vector<16xf32>
        %gt3A_705 = arith.constant 0.000000e+00 : f32
        %gt3A_706 = vector.broadcast %gt3A_705 : f32 to vector<16xf32>
        %gt3A_707 = arith.cmpf ogt, %sub3A_699, %gt3A_706 : vector<16xf32>
        %and3A_708 = arith.andi %lt3A_704, %gt3A_707 : vector<16xi1>
        %gather3A_709 = tpu.vector_load_idx %arg6[%add3A_682] : memref<8192xf32, #tpu.memory_space<vmem>>[vector<16xi32>], vector<16xf32>,
        %add3A_710 = arith.constant 1 : i32
        %add3A_711 = vector.broadcast %add3A_710 : i32 to vector<16xi32>
        %add3A_712 = arith.addi %add3A_682, %add3A_711 : vector<16xi32>
        %gather3A_713 = tpu.vector_load_idx %arg6[%add3A_712] : memref<8192xf32, #tpu.memory_space<vmem>>[vector<16xi32>], vector<16xf32>,
        %add3A_714 = arith.constant 2 : i32
        %add3A_715 = vector.broadcast %add3A_714 : i32 to vector<16xi32>
        %add3A_716 = arith.addi %add3A_682, %add3A_715 : vector<16xi32>
        %gather3A_717 = tpu.vector_load_idx %arg6[%add3A_716] : memref<8192xf32, #tpu.memory_space<vmem>>[vector<16xi32>], vector<16xf32>,
        %add3A_718 = arith.constant 3 : i32
        %add3A_719 = vector.broadcast %add3A_718 : i32 to vector<16xi32>
        %add3A_720 = arith.addi %add3A_682, %add3A_719 : vector<16xi32>
        %gather3A_721 = tpu.vector_load_idx %arg6[%add3A_720] : memref<8192xf32, #tpu.memory_space<vmem>>[vector<16xi32>], vector<16xf32>,
        %max3A_722 = arith.maximumf %gather3A_709, %gather3A_713 : vector<16xf32>
        %max3A_723 = arith.maximumf %gather3A_717, %gather3A_721 : vector<16xf32>
        %max3A_724 = arith.maximumf %max3A_722, %max3A_723 : vector<16xf32>
        %sub3A_725 = arith.subf %max3A_724, %get3A_694 : vector<16xf32>
        %mul3A_726 = arith.mulf %sub3A_725, %sub3A_725 : vector<16xf32>
        %jit3A_727 = arith.constant 0.000000e+00 : f32
        %broadcast_in_dim3A_728 = vector.broadcast %jit3A_727 : f32 to vector<16xf32>
        %select_n3A_729 = arith.select %and3A_708, %mul3A_726, %broadcast_in_dim3A_728 : vector<16xi1>, vector<16xf32>
        %add3A_730 = arith.addf %add3A_673, %select_n3A_729 : vector<16xf32>
        %jit3A_731 = arith.constant 1.000000e+00 : f32
        %jit3A_732 = arith.constant 0.000000e+00 : f32
        %broadcast_in_dim3A_733 = vector.broadcast %jit3A_731 : f32 to vector<16xf32>
        %broadcast_in_dim3A_734 = vector.broadcast %jit3A_732 : f32 to vector<16xf32>
        %select_n3A_735 = arith.select %and3A_708, %broadcast_in_dim3A_733, %broadcast_in_dim3A_734 : vector<16xi1>, vector<16xf32>
        %add3A_736 = arith.addf %add3A_679, %select_n3A_735 : vector<16xf32>
        %add3A_737 = arith.constant 64 : i32
        %add3A_738 = vector.broadcast %add3A_737 : i32 to vector<16xi32>
        %add3A_739 = arith.addi %add3A_682, %add3A_738 : vector<16xi32>
        scf.yield %add3A_730, %add3A_736, %add3A_739 : vector<16xf32>, vector<16xf32>, vector<16xi32>
      }
      %scan3A_479 = arith.constant 126 : i32
      %scan3A_480 = arith.addi %scan3A_474, %scan3A_479 : i32
      %mul3A_481 = arith.constant 16 : i32
      %mul3A_482 = arith.muli %scan3A_480, %mul3A_481 : i32
      %add3A_483 = arith.constant 1 : i32
      %add3A_484 = arith.addi %add3A_483, %mul3A_482 : i32
      %sub3A_485 = arith.constant 1 : i32
      %sub3A_486 = arith.subi %add3A_484, %sub3A_485 : i32
      %get3A_487 = arith.index_cast %sub3A_486 : i32 to index
      %get3A_488 = tpu.vector_load %arg8[%get3A_487] {strides = array<i32>} : memref<2064xf32, #tpu.memory_space<vmem>>, vector<16xf32>,
      %get3A_489 = arith.index_cast %add3A_484 : i32 to index
      %get3A_490 = tpu.vector_load %arg8[%get3A_489] {strides = array<i32>} : memref<2064xf32, #tpu.memory_space<vmem>>, vector<16xf32>,
      %add3A_491 = arith.constant 1 : i32
      %add3A_492 = arith.addi %add3A_484, %add3A_491 : i32
      %get3A_493 = arith.index_cast %add3A_492 : i32 to index
      %get3A_494 = tpu.vector_load %arg8[%get3A_493] {strides = array<i32>} : memref<2064xf32, #tpu.memory_space<vmem>>, vector<16xf32>,
      %sub3A_495 = arith.subf %get3A_490, %get3A_488 : vector<16xf32>
      %sub3A_496 = arith.subf %get3A_494, %get3A_490 : vector<16xf32>
      %mul3A_497 = arith.mulf %sub3A_495, %sub3A_496 : vector<16xf32>
      %lt3A_498 = arith.constant 0.000000e+00 : f32
      %lt3A_499 = vector.broadcast %lt3A_498 : f32 to vector<16xf32>
      %lt3A_500 = arith.cmpf olt, %mul3A_497, %lt3A_499 : vector<16xf32>
      %gt3A_501 = arith.constant 0.000000e+00 : f32
      %gt3A_502 = vector.broadcast %gt3A_501 : f32 to vector<16xf32>
      %gt3A_503 = arith.cmpf ogt, %sub3A_495, %gt3A_502 : vector<16xf32>
      %and3A_504 = arith.andi %lt3A_500, %gt3A_503 : vector<16xi1>
      %gather3A_505 = tpu.vector_load_idx %arg6[%scan3A_478#2] : memref<8192xf32, #tpu.memory_space<vmem>>[vector<16xi32>], vector<16xf32>,
      %add3A_506 = arith.constant 1 : i32
      %add3A_507 = vector.broadcast %add3A_506 : i32 to vector<16xi32>
      %add3A_508 = arith.addi %scan3A_478#2, %add3A_507 : vector<16xi32>
      %gather3A_509 = tpu.vector_load_idx %arg6[%add3A_508] : memref<8192xf32, #tpu.memory_space<vmem>>[vector<16xi32>], vector<16xf32>,
      %add3A_510 = arith.constant 2 : i32
      %add3A_511 = vector.broadcast %add3A_510 : i32 to vector<16xi32>
      %add3A_512 = arith.addi %scan3A_478#2, %add3A_511 : vector<16xi32>
      %gather3A_513 = tpu.vector_load_idx %arg6[%add3A_512] : memref<8192xf32, #tpu.memory_space<vmem>>[vector<16xi32>], vector<16xf32>,
      %add3A_514 = arith.constant 3 : i32
      %add3A_515 = vector.broadcast %add3A_514 : i32 to vector<16xi32>
      %add3A_516 = arith.addi %scan3A_478#2, %add3A_515 : vector<16xi32>
      %gather3A_517 = tpu.vector_load_idx %arg6[%add3A_516] : memref<8192xf32, #tpu.memory_space<vmem>>[vector<16xi32>], vector<16xf32>,
      %max3A_518 = arith.maximumf %gather3A_505, %gather3A_509 : vector<16xf32>
      %max3A_519 = arith.maximumf %gather3A_513, %gather3A_517 : vector<16xf32>
      %max3A_520 = arith.maximumf %max3A_518, %max3A_519 : vector<16xf32>
      %sub3A_521 = arith.subf %max3A_520, %get3A_490 : vector<16xf32>
      %mul3A_522 = arith.mulf %sub3A_521, %sub3A_521 : vector<16xf32>
      %jit3A_523 = arith.constant 0.000000e+00 : f32
      %broadcast_in_dim3A_524 = vector.broadcast %jit3A_523 : f32 to vector<16xf32>
      %select_n3A_525 = arith.select %and3A_504, %mul3A_522, %broadcast_in_dim3A_524 : vector<16xi1>, vector<16xf32>
      %add3A_526 = arith.addf %scan3A_478#0, %select_n3A_525 : vector<16xf32>
      %jit3A_527 = arith.constant 1.000000e+00 : f32
      %jit3A_528 = arith.constant 0.000000e+00 : f32
      %broadcast_in_dim3A_529 = vector.broadcast %jit3A_527 : f32 to vector<16xf32>
      %broadcast_in_dim3A_530 = vector.broadcast %jit3A_528 : f32 to vector<16xf32>
      %select_n3A_531 = arith.select %and3A_504, %broadcast_in_dim3A_529, %broadcast_in_dim3A_530 : vector<16xi1>, vector<16xf32>
      %add3A_532 = arith.addf %scan3A_478#1, %select_n3A_531 : vector<16xf32>
      %add3A_533 = arith.constant 64 : i32
      %add3A_534 = vector.broadcast %add3A_533 : i32 to vector<16xi32>
      %add3A_535 = arith.addi %scan3A_478#2, %add3A_534 : vector<16xi32>
      %scan3A_536 = arith.constant 127 : i32
      %add3A_537 = arith.constant 2033 : i32
      %add3A_538 = vector.broadcast %add3A_537 : i32 to vector<16xi32>
      %add3A_539 = arith.addi %add3A_538, %iota3A : vector<16xi32>
      %lt3A_540 = arith.constant 14 : i32
      %lt3A_541 = vector.broadcast %lt3A_540 : i32 to vector<16xi32>
      %lt3A_542 = arith.cmpi slt, %iota3A, %lt3A_541 : vector<16xi32>
      %get3A_543 = arith.constant 2032 : index
      %get3A_544 = tpu.vector_load %arg8[%get3A_543] {strides = array<i32>} : memref<2064xf32, #tpu.memory_space<vmem>>, vector<16xf32>,
      %get3A_545 = arith.constant 2033 : index
      %get3A_546 = tpu.vector_load %arg8[%get3A_545] {strides = array<i32>} : memref<2064xf32, #tpu.memory_space<vmem>>, vector<16xf32>,
      %get3A_547 = arith.constant 2034 : index
      %get3A_548 = tpu.vector_load %arg8[%get3A_547] {strides = array<i32>} : memref<2064xf32, #tpu.memory_space<vmem>>, vector<16xf32>,
      %sub3A_549 = arith.subf %get3A_546, %get3A_544 : vector<16xf32>
      %sub3A_550 = arith.subf %get3A_548, %get3A_546 : vector<16xf32>
      %mul3A_551 = arith.mulf %sub3A_549, %sub3A_550 : vector<16xf32>
      %lt3A_552 = arith.constant 0.000000e+00 : f32
      %lt3A_553 = vector.broadcast %lt3A_552 : f32 to vector<16xf32>
      %lt3A_554 = arith.cmpf olt, %mul3A_551, %lt3A_553 : vector<16xf32>
      %gt3A_555 = arith.constant 0.000000e+00 : f32
      %gt3A_556 = vector.broadcast %gt3A_555 : f32 to vector<16xf32>
      %gt3A_557 = arith.cmpf ogt, %sub3A_549, %gt3A_556 : vector<16xf32>
      %and3A_558 = arith.andi %lt3A_554, %gt3A_557 : vector<16xi1>
      %and3A_559 = arith.andi %and3A_558, %lt3A_542 : vector<16xi1>
      %min3A_560 = arith.constant 2046 : i32
      %min3A_561 = vector.broadcast %min3A_560 : i32 to vector<16xi32>
      %min3A_562 = arith.minsi %add3A_539, %min3A_561 : vector<16xi32>
      %mul3A_563 = arith.constant 4 : i32
      %mul3A_564 = vector.broadcast %mul3A_563 : i32 to vector<16xi32>
      %mul3A_565 = arith.muli %min3A_562, %mul3A_564 : vector<16xi32>
      %gather3A_566 = tpu.vector_load_idx %arg6[%mul3A_565] : memref<8192xf32, #tpu.memory_space<vmem>>[vector<16xi32>], vector<16xf32>,
      %add3A_567 = arith.constant 1 : i32
      %add3A_568 = vector.broadcast %add3A_567 : i32 to vector<16xi32>
      %add3A_569 = arith.addi %mul3A_565, %add3A_568 : vector<16xi32>
      %gather3A_570 = tpu.vector_load_idx %arg6[%add3A_569] : memref<8192xf32, #tpu.memory_space<vmem>>[vector<16xi32>], vector<16xf32>,
      %add3A_571 = arith.constant 2 : i32
      %add3A_572 = vector.broadcast %add3A_571 : i32 to vector<16xi32>
      %add3A_573 = arith.addi %mul3A_565, %add3A_572 : vector<16xi32>
      %gather3A_574 = tpu.vector_load_idx %arg6[%add3A_573] : memref<8192xf32, #tpu.memory_space<vmem>>[vector<16xi32>], vector<16xf32>,
      %add3A_575 = arith.constant 3 : i32
      %add3A_576 = vector.broadcast %add3A_575 : i32 to vector<16xi32>
      %add3A_577 = arith.addi %mul3A_565, %add3A_576 : vector<16xi32>
      %gather3A_578 = tpu.vector_load_idx %arg6[%add3A_577] : memref<8192xf32, #tpu.memory_space<vmem>>[vector<16xi32>], vector<16xf32>,
      %max3A_579 = arith.maximumf %gather3A_566, %gather3A_570 : vector<16xf32>
      %max3A_580 = arith.maximumf %gather3A_574, %gather3A_578 : vector<16xf32>
      %max3A_581 = arith.maximumf %max3A_579, %max3A_580 : vector<16xf32>
      %sub3A_582 = arith.subf %max3A_581, %get3A_546 : vector<16xf32>
      %mul3A_583 = arith.mulf %sub3A_582, %sub3A_582 : vector<16xf32>
      %jit3A_584 = arith.constant 0.000000e+00 : f32
      %broadcast_in_dim3A_585 = vector.broadcast %jit3A_584 : f32 to vector<16xf32>
      %select_n3A_586 = arith.select %and3A_559, %mul3A_583, %broadcast_in_dim3A_585 : vector<16xi1>, vector<16xf32>
      %add3A_587 = arith.addf %add3A_526, %select_n3A_586 : vector<16xf32>
      %jit3A_588 = arith.constant 1.000000e+00 : f32
      %jit3A_589 = arith.constant 0.000000e+00 : f32
      %broadcast_in_dim3A_590 = vector.broadcast %jit3A_588 : f32 to vector<16xf32>
      %broadcast_in_dim3A_591 = vector.broadcast %jit3A_589 : f32 to vector<16xf32>
      %select_n3A_592 = arith.select %and3A_559, %broadcast_in_dim3A_590, %broadcast_in_dim3A_591 : vector<16xi1>, vector<16xf32>
      %add3A_593 = arith.addf %add3A_532, %select_n3A_592 : vector<16xf32>
      %mul3A_594 = arith.constant 16 : i32
      %mul3A_595 = arith.muli %add3A_467, %mul3A_594 : i32
      %swap3A_596 = arith.index_cast %mul3A_595 : i32 to index
      %swap3A_597 = tpu.vector_load %arg9[%swap3A_596] {strides = array<i32>} : memref<512xf32, #tpu.memory_space<vmem>>, vector<16xf32>,
      tpu.vector_store %arg9[%swap3A_596], %add3A_587 {strides = array<i32>} : memref<512xf32, #tpu.memory_space<vmem>>, vector<16xf32>,
      %add3A_598 = arith.constant 16 : i32
      %add3A_599 = arith.addi %add3A_598, %add3A_467 : i32
      %mul3A_600 = arith.constant 16 : i32
      %mul3A_601 = arith.muli %add3A_599, %mul3A_600 : i32
      %swap3A_602 = arith.index_cast %mul3A_601 : i32 to index
      %swap3A_603 = tpu.vector_load %arg9[%swap3A_602] {strides = array<i32>} : memref<512xf32, #tpu.memory_space<vmem>>, vector<16xf32>,
      tpu.vector_store %arg9[%swap3A_602], %add3A_593 {strides = array<i32>} : memref<512xf32, #tpu.memory_space<vmem>>, vector<16xf32>,
      %add3A_604 = arith.addi %mul3A_2, %mul3A_277 : i32
      %add3A_605 = arith.constant 3 : i32
      %add3A_606 = arith.addi %add3A_604, %add3A_605 : i32
      %min3A_607 = arith.minsi %add3A_606, %sub3A_5 : i32
      %dma_start3A_608 = arith.constant 0 : i32
      %dma_start3A_609 = tpu.memref_slice %arg2[%min3A_607, %dma_start3A_608] : memref<1024x8192xf32, #tpu.memory_space<hbm>> -> memref<1x8192xf32, #tpu.memory_space<hbm>>
      %dma_start3A_610 = tpu.memref_squeeze %dma_start3A_609 : memref<1x8192xf32, #tpu.memory_space<hbm>> -> memref<8192xf32, #tpu.memory_space<hbm>>
      %dma_start3A_611 = arith.constant 0 : i32
      %dma_start3A_612 = tpu.memref_slice %arg2[%min3A_607, %dma_start3A_611] : memref<1024x8192xf32, #tpu.memory_space<hbm>> -> memref<1x8192xf32, #tpu.memory_space<hbm>>
      %dma_start3A_613 = tpu.memref_squeeze %dma_start3A_612 : memref<1x8192xf32, #tpu.memory_space<hbm>> -> memref<8192xf32, #tpu.memory_space<hbm>>
      tpu.enqueue_dma source(%dma_start3A_613 : memref<8192xf32, #tpu.memory_space<hbm>>) target(%arg6 : memref<8192xf32, #tpu.memory_space<vmem>>) target_semaphore(%arg13 : memref<!tpu.dma_semaphore, #tpu.memory_space<semaphore_mem>>)
      %dma_start3A_614 = arith.constant 0 : i32
      %dma_start3A_615 = tpu.memref_slice %arg8[%dma_start3A_614] : memref<2064xf32, #tpu.memory_space<vmem>> -> memref<2048xf32, #tpu.memory_space<vmem>>
      %dma_start3A_616 = arith.constant 0 : i32
      %dma_start3A_617 = tpu.memref_slice %arg3[%min3A_607, %dma_start3A_616] : memref<1024x2048xf32, #tpu.memory_space<hbm>> -> memref<1x2048xf32, #tpu.memory_space<hbm>>
      %dma_start3A_618 = tpu.memref_squeeze %dma_start3A_617 : memref<1x2048xf32, #tpu.memory_space<hbm>> -> memref<2048xf32, #tpu.memory_space<hbm>>
      %dma_start3A_619 = arith.constant 0 : i32
      %dma_start3A_620 = tpu.memref_slice %arg8[%dma_start3A_619] : memref<2064xf32, #tpu.memory_space<vmem>> -> memref<2048xf32, #tpu.memory_space<vmem>>
      %dma_start3A_621 = arith.constant 0 : i32
      %dma_start3A_622 = tpu.memref_slice %arg3[%min3A_607, %dma_start3A_621] : memref<1024x2048xf32, #tpu.memory_space<hbm>> -> memref<1x2048xf32, #tpu.memory_space<hbm>>
      %dma_start3A_623 = tpu.memref_squeeze %dma_start3A_622 : memref<1x2048xf32, #tpu.memory_space<hbm>> -> memref<2048xf32, #tpu.memory_space<hbm>>
      tpu.enqueue_dma source(%dma_start3A_623 : memref<2048xf32, #tpu.memory_space<hbm>>) target(%dma_start3A_620 : memref<2048xf32, #tpu.memory_space<vmem>>) target_semaphore(%arg14 : memref<!tpu.dma_semaphore, #tpu.memory_space<semaphore_mem>>)
    }
    %scan3A_47 = arith.constant 8 : i32
    %dma_wait3A = arith.constant 0 : i32
    %dma_wait3A_48 = arith.constant 0 : i32
    %dma_wait3A_49 = tpu.memref_slice %arg2[%dma_wait3A, %dma_wait3A_48] : memref<1024x8192xf32, #tpu.memory_space<hbm>> -> memref<1x8192xf32, #tpu.memory_space<hbm>>
    %dma_wait3A_50 = tpu.memref_squeeze %dma_wait3A_49 : memref<1x8192xf32, #tpu.memory_space<hbm>> -> memref<8192xf32, #tpu.memory_space<hbm>>
    %dma_wait3A_51 = arith.constant 0 : i32
    %dma_wait3A_52 = tpu.memref_slice %arg2[%dma_wait3A, %dma_wait3A_51] : memref<1024x8192xf32, #tpu.memory_space<hbm>> -> memref<1x8192xf32, #tpu.memory_space<hbm>>
    %dma_wait3A_53 = tpu.memref_squeeze %dma_wait3A_52 : memref<1x8192xf32, #tpu.memory_space<hbm>> -> memref<8192xf32, #tpu.memory_space<hbm>>
    tpu.wait_dma2 semaphore(%arg11 : memref<!tpu.dma_semaphore, #tpu.memory_space<semaphore_mem>>) src(%dma_wait3A_53 : memref<8192xf32, #tpu.memory_space<hbm>>) dst(%arg5 : memref<8192xf32, #tpu.memory_space<vmem>>)
    %dma_wait3A_54 = arith.constant 0 : i32
    %dma_wait3A_55 = arith.constant 0 : i32
    %dma_wait3A_56 = tpu.memref_slice %arg7[%dma_wait3A_55] : memref<2064xf32, #tpu.memory_space<vmem>> -> memref<2048xf32, #tpu.memory_space<vmem>>
    %dma_wait3A_57 = arith.constant 0 : i32
    %dma_wait3A_58 = tpu.memref_slice %arg3[%dma_wait3A_54, %dma_wait3A_57] : memref<1024x2048xf32, #tpu.memory_space<hbm>> -> memref<1x2048xf32, #tpu.memory_space<hbm>>
    %dma_wait3A_59 = tpu.memref_squeeze %dma_wait3A_58 : memref<1x2048xf32, #tpu.memory_space<hbm>> -> memref<2048xf32, #tpu.memory_space<hbm>>
    %dma_wait3A_60 = arith.constant 0 : i32
    %dma_wait3A_61 = tpu.memref_slice %arg7[%dma_wait3A_60] : memref<2064xf32, #tpu.memory_space<vmem>> -> memref<2048xf32, #tpu.memory_space<vmem>>
    %dma_wait3A_62 = arith.constant 0 : i32
    %dma_wait3A_63 = tpu.memref_slice %arg3[%dma_wait3A_54, %dma_wait3A_62] : memref<1024x2048xf32, #tpu.memory_space<hbm>> -> memref<1x2048xf32, #tpu.memory_space<hbm>>
    %dma_wait3A_64 = tpu.memref_squeeze %dma_wait3A_63 : memref<1x2048xf32, #tpu.memory_space<hbm>> -> memref<2048xf32, #tpu.memory_space<hbm>>
    tpu.wait_dma2 semaphore(%arg12 : memref<!tpu.dma_semaphore, #tpu.memory_space<semaphore_mem>>) src(%dma_wait3A_64 : memref<2048xf32, #tpu.memory_space<hbm>>) dst(%dma_wait3A_61 : memref<2048xf32, #tpu.memory_space<vmem>>)
    %dma_wait3A_65 = arith.constant 0 : i32
    %dma_wait3A_66 = arith.constant 0 : i32
    %dma_wait3A_67 = tpu.memref_slice %arg2[%dma_wait3A_65, %dma_wait3A_66] : memref<1024x8192xf32, #tpu.memory_space<hbm>> -> memref<1x8192xf32, #tpu.memory_space<hbm>>
    %dma_wait3A_68 = tpu.memref_squeeze %dma_wait3A_67 : memref<1x8192xf32, #tpu.memory_space<hbm>> -> memref<8192xf32, #tpu.memory_space<hbm>>
    %dma_wait3A_69 = arith.constant 0 : i32
    %dma_wait3A_70 = tpu.memref_slice %arg2[%dma_wait3A_65, %dma_wait3A_69] : memref<1024x8192xf32, #tpu.memory_space<hbm>> -> memref<1x8192xf32, #tpu.memory_space<hbm>>
    %dma_wait3A_71 = tpu.memref_squeeze %dma_wait3A_70 : memref<1x8192xf32, #tpu.memory_space<hbm>> -> memref<8192xf32, #tpu.memory_space<hbm>>
    tpu.wait_dma2 semaphore(%arg13 : memref<!tpu.dma_semaphore, #tpu.memory_space<semaphore_mem>>) src(%dma_wait3A_71 : memref<8192xf32, #tpu.memory_space<hbm>>) dst(%arg6 : memref<8192xf32, #tpu.memory_space<vmem>>)
    %dma_wait3A_72 = arith.constant 0 : i32
    %dma_wait3A_73 = arith.constant 0 : i32
    %dma_wait3A_74 = tpu.memref_slice %arg8[%dma_wait3A_73] : memref<2064xf32, #tpu.memory_space<vmem>> -> memref<2048xf32, #tpu.memory_space<vmem>>
    %dma_wait3A_75 = arith.constant 0 : i32
    %dma_wait3A_76 = tpu.memref_slice %arg3[%dma_wait3A_72, %dma_wait3A_75] : memref<1024x2048xf32, #tpu.memory_space<hbm>> -> memref<1x2048xf32, #tpu.memory_space<hbm>>
    %dma_wait3A_77 = tpu.memref_squeeze %dma_wait3A_76 : memref<1x2048xf32, #tpu.memory_space<hbm>> -> memref<2048xf32, #tpu.memory_space<hbm>>
    %dma_wait3A_78 = arith.constant 0 : i32
    %dma_wait3A_79 = tpu.memref_slice %arg8[%dma_wait3A_78] : memref<2064xf32, #tpu.memory_space<vmem>> -> memref<2048xf32, #tpu.memory_space<vmem>>
    %dma_wait3A_80 = arith.constant 0 : i32
    %dma_wait3A_81 = tpu.memref_slice %arg3[%dma_wait3A_72, %dma_wait3A_80] : memref<1024x2048xf32, #tpu.memory_space<hbm>> -> memref<1x2048xf32, #tpu.memory_space<hbm>>
    %dma_wait3A_82 = tpu.memref_squeeze %dma_wait3A_81 : memref<1x2048xf32, #tpu.memory_space<hbm>> -> memref<2048xf32, #tpu.memory_space<hbm>>
    tpu.wait_dma2 semaphore(%arg14 : memref<!tpu.dma_semaphore, #tpu.memory_space<semaphore_mem>>) src(%dma_wait3A_82 : memref<2048xf32, #tpu.memory_space<hbm>>) dst(%dma_wait3A_79 : memref<2048xf32, #tpu.memory_space<vmem>>)
    %mul3A_83 = arith.constant 16 : i32
    %mul3A_84 = vector.broadcast %mul3A_83 : i32 to vector<16xi32>
    %mul3A_85 = arith.muli %iota3A, %mul3A_84 : vector<16xi32>
    %add3A_86 = arith.constant 0 : i32
    %add3A_87 = vector.broadcast %add3A_86 : i32 to vector<16xi32>
    %add3A_88 = arith.addi %mul3A_85, %add3A_87 : vector<16xi32>
    %gather3A = tpu.vector_load_idx %arg9[%add3A_88] : memref<512xf32, #tpu.memory_space<vmem>>[vector<16xi32>], vector<16xf32>,
    %add3A_89 = arith.addf %broadcast_in_dim3A_6, %gather3A : vector<16xf32>
    %add3A_90 = arith.constant 256 : i32
    %add3A_91 = vector.broadcast %add3A_90 : i32 to vector<16xi32>
    %add3A_92 = arith.addi %mul3A_85, %add3A_91 : vector<16xi32>
    %gather3A_93 = tpu.vector_load_idx %arg9[%add3A_92] : memref<512xf32, #tpu.memory_space<vmem>>[vector<16xi32>], vector<16xf32>,
    %add3A_94 = arith.addf %broadcast_in_dim3A_6, %gather3A_93 : vector<16xf32>
    %add3A_95 = arith.constant 1 : i32
    %add3A_96 = vector.broadcast %add3A_95 : i32 to vector<16xi32>
    %add3A_97 = arith.addi %mul3A_85, %add3A_96 : vector<16xi32>
    %gather3A_98 = tpu.vector_load_idx %arg9[%add3A_97] : memref<512xf32, #tpu.memory_space<vmem>>[vector<16xi32>], vector<16xf32>,
    %add3A_99 = arith.addf %add3A_89, %gather3A_98 : vector<16xf32>
    %add3A_100 = arith.constant 257 : i32
    %add3A_101 = vector.broadcast %add3A_100 : i32 to vector<16xi32>
    %add3A_102 = arith.addi %mul3A_85, %add3A_101 : vector<16xi32>
    %gather3A_103 = tpu.vector_load_idx %arg9[%add3A_102] : memref<512xf32, #tpu.memory_space<vmem>>[vector<16xi32>], vector<16xf32>,
    %add3A_104 = arith.addf %add3A_94, %gather3A_103 : vector<16xf32>
    %add3A_105 = arith.constant 2 : i32
    %add3A_106 = vector.broadcast %add3A_105 : i32 to vector<16xi32>
    %add3A_107 = arith.addi %mul3A_85, %add3A_106 : vector<16xi32>
    %gather3A_108 = tpu.vector_load_idx %arg9[%add3A_107] : memref<512xf32, #tpu.memory_space<vmem>>[vector<16xi32>], vector<16xf32>,
    %add3A_109 = arith.addf %add3A_99, %gather3A_108 : vector<16xf32>
    %add3A_110 = arith.constant 258 : i32
    %add3A_111 = vector.broadcast %add3A_110 : i32 to vector<16xi32>
    %add3A_112 = arith.addi %mul3A_85, %add3A_111 : vector<16xi32>
    %gather3A_113 = tpu.vector_load_idx %arg9[%add3A_112] : memref<512xf32, #tpu.memory_space<vmem>>[vector<16xi32>], vector<16xf32>,
    %add3A_114 = arith.addf %add3A_104, %gather3A_113 : vector<16xf32>
    %add3A_115 = arith.constant 3 : i32
    %add3A_116 = vector.broadcast %add3A_115 : i32 to vector<16xi32>
    %add3A_117 = arith.addi %mul3A_85, %add3A_116 : vector<16xi32>
    %gather3A_118 = tpu.vector_load_idx %arg9[%add3A_117] : memref<512xf32, #tpu.memory_space<vmem>>[vector<16xi32>], vector<16xf32>,
    %add3A_119 = arith.addf %add3A_109, %gather3A_118 : vector<16xf32>
    %add3A_120 = arith.constant 259 : i32
    %add3A_121 = vector.broadcast %add3A_120 : i32 to vector<16xi32>
    %add3A_122 = arith.addi %mul3A_85, %add3A_121 : vector<16xi32>
    %gather3A_123 = tpu.vector_load_idx %arg9[%add3A_122] : memref<512xf32, #tpu.memory_space<vmem>>[vector<16xi32>], vector<16xf32>,
    %add3A_124 = arith.addf %add3A_114, %gather3A_123 : vector<16xf32>
    %add3A_125 = arith.constant 4 : i32
    %add3A_126 = vector.broadcast %add3A_125 : i32 to vector<16xi32>
    %add3A_127 = arith.addi %mul3A_85, %add3A_126 : vector<16xi32>
    %gather3A_128 = tpu.vector_load_idx %arg9[%add3A_127] : memref<512xf32, #tpu.memory_space<vmem>>[vector<16xi32>], vector<16xf32>,
    %add3A_129 = arith.addf %add3A_119, %gather3A_128 : vector<16xf32>
    %add3A_130 = arith.constant 260 : i32
    %add3A_131 = vector.broadcast %add3A_130 : i32 to vector<16xi32>
    %add3A_132 = arith.addi %mul3A_85, %add3A_131 : vector<16xi32>
    %gather3A_133 = tpu.vector_load_idx %arg9[%add3A_132] : memref<512xf32, #tpu.memory_space<vmem>>[vector<16xi32>], vector<16xf32>,
    %add3A_134 = arith.addf %add3A_124, %gather3A_133 : vector<16xf32>
    %add3A_135 = arith.constant 5 : i32
    %add3A_136 = vector.broadcast %add3A_135 : i32 to vector<16xi32>
    %add3A_137 = arith.addi %mul3A_85, %add3A_136 : vector<16xi32>
    %gather3A_138 = tpu.vector_load_idx %arg9[%add3A_137] : memref<512xf32, #tpu.memory_space<vmem>>[vector<16xi32>], vector<16xf32>,
    %add3A_139 = arith.addf %add3A_129, %gather3A_138 : vector<16xf32>
    %add3A_140 = arith.constant 261 : i32
    %add3A_141 = vector.broadcast %add3A_140 : i32 to vector<16xi32>
    %add3A_142 = arith.addi %mul3A_85, %add3A_141 : vector<16xi32>
    %gather3A_143 = tpu.vector_load_idx %arg9[%add3A_142] : memref<512xf32, #tpu.memory_space<vmem>>[vector<16xi32>], vector<16xf32>,
    %add3A_144 = arith.addf %add3A_134, %gather3A_143 : vector<16xf32>
    %add3A_145 = arith.constant 6 : i32
    %add3A_146 = vector.broadcast %add3A_145 : i32 to vector<16xi32>
    %add3A_147 = arith.addi %mul3A_85, %add3A_146 : vector<16xi32>
    %gather3A_148 = tpu.vector_load_idx %arg9[%add3A_147] : memref<512xf32, #tpu.memory_space<vmem>>[vector<16xi32>], vector<16xf32>,
    %add3A_149 = arith.addf %add3A_139, %gather3A_148 : vector<16xf32>
    %add3A_150 = arith.constant 262 : i32
    %add3A_151 = vector.broadcast %add3A_150 : i32 to vector<16xi32>
    %add3A_152 = arith.addi %mul3A_85, %add3A_151 : vector<16xi32>
    %gather3A_153 = tpu.vector_load_idx %arg9[%add3A_152] : memref<512xf32, #tpu.memory_space<vmem>>[vector<16xi32>], vector<16xf32>,
    %add3A_154 = arith.addf %add3A_144, %gather3A_153 : vector<16xf32>
    %add3A_155 = arith.constant 7 : i32
    %add3A_156 = vector.broadcast %add3A_155 : i32 to vector<16xi32>
    %add3A_157 = arith.addi %mul3A_85, %add3A_156 : vector<16xi32>
    %gather3A_158 = tpu.vector_load_idx %arg9[%add3A_157] : memref<512xf32, #tpu.memory_space<vmem>>[vector<16xi32>], vector<16xf32>,
    %add3A_159 = arith.addf %add3A_149, %gather3A_158 : vector<16xf32>
    %add3A_160 = arith.constant 263 : i32
    %add3A_161 = vector.broadcast %add3A_160 : i32 to vector<16xi32>
    %add3A_162 = arith.addi %mul3A_85, %add3A_161 : vector<16xi32>
    %gather3A_163 = tpu.vector_load_idx %arg9[%add3A_162] : memref<512xf32, #tpu.memory_space<vmem>>[vector<16xi32>], vector<16xf32>,
    %add3A_164 = arith.addf %add3A_154, %gather3A_163 : vector<16xf32>
    %add3A_165 = arith.constant 8 : i32
    %add3A_166 = vector.broadcast %add3A_165 : i32 to vector<16xi32>
    %add3A_167 = arith.addi %mul3A_85, %add3A_166 : vector<16xi32>
    %gather3A_168 = tpu.vector_load_idx %arg9[%add3A_167] : memref<512xf32, #tpu.memory_space<vmem>>[vector<16xi32>], vector<16xf32>,
    %add3A_169 = arith.addf %add3A_159, %gather3A_168 : vector<16xf32>
    %add3A_170 = arith.constant 264 : i32
    %add3A_171 = vector.broadcast %add3A_170 : i32 to vector<16xi32>
    %add3A_172 = arith.addi %mul3A_85, %add3A_171 : vector<16xi32>
    %gather3A_173 = tpu.vector_load_idx %arg9[%add3A_172] : memref<512xf32, #tpu.memory_space<vmem>>[vector<16xi32>], vector<16xf32>,
    %add3A_174 = arith.addf %add3A_164, %gather3A_173 : vector<16xf32>
    %add3A_175 = arith.constant 9 : i32
    %add3A_176 = vector.broadcast %add3A_175 : i32 to vector<16xi32>
    %add3A_177 = arith.addi %mul3A_85, %add3A_176 : vector<16xi32>
    %gather3A_178 = tpu.vector_load_idx %arg9[%add3A_177] : memref<512xf32, #tpu.memory_space<vmem>>[vector<16xi32>], vector<16xf32>,
    %add3A_179 = arith.addf %add3A_169, %gather3A_178 : vector<16xf32>
    %add3A_180 = arith.constant 265 : i32
    %add3A_181 = vector.broadcast %add3A_180 : i32 to vector<16xi32>
    %add3A_182 = arith.addi %mul3A_85, %add3A_181 : vector<16xi32>
    %gather3A_183 = tpu.vector_load_idx %arg9[%add3A_182] : memref<512xf32, #tpu.memory_space<vmem>>[vector<16xi32>], vector<16xf32>,
    %add3A_184 = arith.addf %add3A_174, %gather3A_183 : vector<16xf32>
    %add3A_185 = arith.constant 10 : i32
    %add3A_186 = vector.broadcast %add3A_185 : i32 to vector<16xi32>
    %add3A_187 = arith.addi %mul3A_85, %add3A_186 : vector<16xi32>
    %gather3A_188 = tpu.vector_load_idx %arg9[%add3A_187] : memref<512xf32, #tpu.memory_space<vmem>>[vector<16xi32>], vector<16xf32>,
    %add3A_189 = arith.addf %add3A_179, %gather3A_188 : vector<16xf32>
    %add3A_190 = arith.constant 266 : i32
    %add3A_191 = vector.broadcast %add3A_190 : i32 to vector<16xi32>
    %add3A_192 = arith.addi %mul3A_85, %add3A_191 : vector<16xi32>
    %gather3A_193 = tpu.vector_load_idx %arg9[%add3A_192] : memref<512xf32, #tpu.memory_space<vmem>>[vector<16xi32>], vector<16xf32>,
    %add3A_194 = arith.addf %add3A_184, %gather3A_193 : vector<16xf32>
    %add3A_195 = arith.constant 11 : i32
    %add3A_196 = vector.broadcast %add3A_195 : i32 to vector<16xi32>
    %add3A_197 = arith.addi %mul3A_85, %add3A_196 : vector<16xi32>
    %gather3A_198 = tpu.vector_load_idx %arg9[%add3A_197] : memref<512xf32, #tpu.memory_space<vmem>>[vector<16xi32>], vector<16xf32>,
    %add3A_199 = arith.addf %add3A_189, %gather3A_198 : vector<16xf32>
    %add3A_200 = arith.constant 267 : i32
    %add3A_201 = vector.broadcast %add3A_200 : i32 to vector<16xi32>
    %add3A_202 = arith.addi %mul3A_85, %add3A_201 : vector<16xi32>
    %gather3A_203 = tpu.vector_load_idx %arg9[%add3A_202] : memref<512xf32, #tpu.memory_space<vmem>>[vector<16xi32>], vector<16xf32>,
    %add3A_204 = arith.addf %add3A_194, %gather3A_203 : vector<16xf32>
    %add3A_205 = arith.constant 12 : i32
    %add3A_206 = vector.broadcast %add3A_205 : i32 to vector<16xi32>
    %add3A_207 = arith.addi %mul3A_85, %add3A_206 : vector<16xi32>
    %gather3A_208 = tpu.vector_load_idx %arg9[%add3A_207] : memref<512xf32, #tpu.memory_space<vmem>>[vector<16xi32>], vector<16xf32>,
    %add3A_209 = arith.addf %add3A_199, %gather3A_208 : vector<16xf32>
    %add3A_210 = arith.constant 268 : i32
    %add3A_211 = vector.broadcast %add3A_210 : i32 to vector<16xi32>
    %add3A_212 = arith.addi %mul3A_85, %add3A_211 : vector<16xi32>
    %gather3A_213 = tpu.vector_load_idx %arg9[%add3A_212] : memref<512xf32, #tpu.memory_space<vmem>>[vector<16xi32>], vector<16xf32>,
    %add3A_214 = arith.addf %add3A_204, %gather3A_213 : vector<16xf32>
    %add3A_215 = arith.constant 13 : i32
    %add3A_216 = vector.broadcast %add3A_215 : i32 to vector<16xi32>
    %add3A_217 = arith.addi %mul3A_85, %add3A_216 : vector<16xi32>
    %gather3A_218 = tpu.vector_load_idx %arg9[%add3A_217] : memref<512xf32, #tpu.memory_space<vmem>>[vector<16xi32>], vector<16xf32>,
    %add3A_219 = arith.addf %add3A_209, %gather3A_218 : vector<16xf32>
    %add3A_220 = arith.constant 269 : i32
    %add3A_221 = vector.broadcast %add3A_220 : i32 to vector<16xi32>
    %add3A_222 = arith.addi %mul3A_85, %add3A_221 : vector<16xi32>
    %gather3A_223 = tpu.vector_load_idx %arg9[%add3A_222] : memref<512xf32, #tpu.memory_space<vmem>>[vector<16xi32>], vector<16xf32>,
    %add3A_224 = arith.addf %add3A_214, %gather3A_223 : vector<16xf32>
    %add3A_225 = arith.constant 14 : i32
    %add3A_226 = vector.broadcast %add3A_225 : i32 to vector<16xi32>
    %add3A_227 = arith.addi %mul3A_85, %add3A_226 : vector<16xi32>
    %gather3A_228 = tpu.vector_load_idx %arg9[%add3A_227] : memref<512xf32, #tpu.memory_space<vmem>>[vector<16xi32>], vector<16xf32>,
    %add3A_229 = arith.addf %add3A_219, %gather3A_228 : vector<16xf32>
    %add3A_230 = arith.constant 270 : i32
    %add3A_231 = vector.broadcast %add3A_230 : i32 to vector<16xi32>
    %add3A_232 = arith.addi %mul3A_85, %add3A_231 : vector<16xi32>
    %gather3A_233 = tpu.vector_load_idx %arg9[%add3A_232] : memref<512xf32, #tpu.memory_space<vmem>>[vector<16xi32>], vector<16xf32>,
    %add3A_234 = arith.addf %add3A_224, %gather3A_233 : vector<16xf32>
    %add3A_235 = arith.constant 15 : i32
    %add3A_236 = vector.broadcast %add3A_235 : i32 to vector<16xi32>
    %add3A_237 = arith.addi %mul3A_85, %add3A_236 : vector<16xi32>
    %gather3A_238 = tpu.vector_load_idx %arg9[%add3A_237] : memref<512xf32, #tpu.memory_space<vmem>>[vector<16xi32>], vector<16xf32>,
    %add3A_239 = arith.addf %add3A_229, %gather3A_238 : vector<16xf32>
    %add3A_240 = arith.constant 271 : i32
    %add3A_241 = vector.broadcast %add3A_240 : i32 to vector<16xi32>
    %add3A_242 = arith.addi %mul3A_85, %add3A_241 : vector<16xi32>
    %gather3A_243 = tpu.vector_load_idx %arg9[%add3A_242] : memref<512xf32, #tpu.memory_space<vmem>>[vector<16xi32>], vector<16xf32>,
    %add3A_244 = arith.addf %add3A_234, %gather3A_243 : vector<16xf32>
    %max3A = arith.constant 1.000000e+00 : f32
    %max3A_245 = vector.broadcast %max3A : f32 to vector<16xf32>
    %max3A_246 = arith.maximumf %add3A_244, %max3A_245 : vector<16xf32>
    %div3A = arith.divf %add3A_239, %max3A_246 : vector<16xf32>
    %gt3A = arith.constant 0.000000e+00 : f32
    %gt3A_247 = vector.broadcast %gt3A : f32 to vector<16xf32>
    %gt3A_248 = arith.cmpf ogt, %add3A_244, %gt3A_247 : vector<16xf32>
    %jit3A = arith.constant 1.000000e+00 : f32
    %jit3A_249 = arith.constant 0.000000e+00 : f32
    %broadcast_in_dim3A_250 = vector.broadcast %jit3A : f32 to vector<16xf32>
    %broadcast_in_dim3A_251 = vector.broadcast %jit3A_249 : f32 to vector<16xf32>
    %select_n3A = arith.select %gt3A_248, %broadcast_in_dim3A_250, %broadcast_in_dim3A_251 : vector<16xi1>, vector<16xf32>
    %mul3A_252 = arith.mulf %div3A, %select_n3A : vector<16xf32>
    %add3A_253 = arith.addf %broadcast_in_dim3A_6, %mul3A_252 : vector<16xf32>
    %add3A_254 = arith.addf %broadcast_in_dim3A_6, %select_n3A : vector<16xf32>
    %reduce_sum3A = arith.constant true
    %reduce_sum3A_255 = vector.broadcast %reduce_sum3A : i1 to vector<16xi1>
    %reduce_sum3A_256 = tpu.scan <sum>, %add3A_253 masked %reduce_sum3A_255 : vector<16xf32>, vector<16xi1> -> vector<16xf32>
    %reduce_sum3A_257 = vector.extract %reduce_sum3A_256[15] : f32 from vector<16xf32>
    %broadcast_in_dim3A_258 = vector.broadcast %reduce_sum3A_257 : f32 to vector<16xf32>
    %reduce_sum3A_259 = arith.constant true
    %reduce_sum3A_260 = vector.broadcast %reduce_sum3A_259 : i1 to vector<16xi1>
    %reduce_sum3A_261 = tpu.scan <sum>, %add3A_254 masked %reduce_sum3A_260 : vector<16xf32>, vector<16xi1> -> vector<16xf32>
    %reduce_sum3A_262 = vector.extract %reduce_sum3A_261[15] : f32 from vector<16xf32>
    %broadcast_in_dim3A_263 = vector.broadcast %reduce_sum3A_262 : f32 to vector<16xf32>
    %eq3A = arith.constant 0 : i32
    %eq3A_264 = vector.broadcast %eq3A : i32 to vector<16xi32>
    %eq3A_265 = arith.cmpi eq, %iota3A, %eq3A_264 : vector<16xi32>
    %eq3A_266 = arith.constant 1 : i32
    %eq3A_267 = vector.broadcast %eq3A_266 : i32 to vector<16xi32>
    %eq3A_268 = arith.cmpi eq, %iota3A, %eq3A_267 : vector<16xi32>
    %jit3A_269 = arith.constant 0.000000e+00 : f32
    %broadcast_in_dim3A_270 = vector.broadcast %jit3A_269 : f32 to vector<16xf32>
    %select_n3A_271 = arith.select %eq3A_268, %broadcast_in_dim3A_263, %broadcast_in_dim3A_270 : vector<16xi1>, vector<16xf32>
    %select_n3A_272 = arith.select %eq3A_265, %broadcast_in_dim3A_258, %select_n3A_271 : vector<16xi1>, vector<16xf32>
    %swap3A_273 = arith.constant 0 : index
    %swap3A_274 = tpu.vector_load %arg10[%swap3A_273] {strides = array<i32>} : memref<16xf32, #tpu.memory_space<vmem>>, vector<16xf32>,
    tpu.vector_store %arg10[%swap3A_273], %select_n3A_272 {strides = array<i32>} : memref<16xf32, #tpu.memory_space<vmem>>, vector<16xf32>,
    "tpu.region"() ({
      %run_scoped3A = tpu.sem_alloc : memref<!tpu.dma_semaphore, #tpu.memory_space<semaphore_mem>>
      %dma_start3A_275 = arith.constant 0 : i32
      %dma_start3A_276 = tpu.memref_slice %arg4[%add3A, %dma_start3A_275] : memref<32x16xf32, #tpu.memory_space<hbm>> -> memref<1x16xf32, #tpu.memory_space<hbm>>
      %dma_start3A_277 = tpu.memref_squeeze %dma_start3A_276 : memref<1x16xf32, #tpu.memory_space<hbm>> -> memref<16xf32, #tpu.memory_space<hbm>>
      %dma_start3A_278 = arith.constant 0 : i32
      %dma_start3A_279 = tpu.memref_slice %arg4[%add3A, %dma_start3A_278] : memref<32x16xf32, #tpu.memory_space<hbm>> -> memref<1x16xf32, #tpu.memory_space<hbm>>
      %dma_start3A_280 = tpu.memref_squeeze %dma_start3A_279 : memref<1x16xf32, #tpu.memory_space<hbm>> -> memref<16xf32, #tpu.memory_space<hbm>>
      tpu.enqueue_dma source(%arg10 : memref<16xf32, #tpu.memory_space<vmem>>) target(%dma_start3A_280 : memref<16xf32, #tpu.memory_space<hbm>>) target_semaphore(%run_scoped3A : memref<!tpu.dma_semaphore, #tpu.memory_space<semaphore_mem>>)
      %dma_wait3A_281 = arith.constant 0 : i32
      %dma_wait3A_282 = tpu.memref_slice %arg4[%add3A, %dma_wait3A_281] : memref<32x16xf32, #tpu.memory_space<hbm>> -> memref<1x16xf32, #tpu.memory_space<hbm>>
      %dma_wait3A_283 = tpu.memref_squeeze %dma_wait3A_282 : memref<1x16xf32, #tpu.memory_space<hbm>> -> memref<16xf32, #tpu.memory_space<hbm>>
      %dma_wait3A_284 = arith.constant 0 : i32
      %dma_wait3A_285 = tpu.memref_slice %arg4[%add3A, %dma_wait3A_284] : memref<32x16xf32, #tpu.memory_space<hbm>> -> memref<1x16xf32, #tpu.memory_space<hbm>>
      %dma_wait3A_286 = tpu.memref_squeeze %dma_wait3A_285 : memref<1x16xf32, #tpu.memory_space<hbm>> -> memref<16xf32, #tpu.memory_space<hbm>>
      tpu.wait_dma2 semaphore(%run_scoped3A : memref<!tpu.dma_semaphore, #tpu.memory_space<semaphore_mem>>) src(%arg10 : memref<16xf32, #tpu.memory_space<vmem>>) dst(%dma_wait3A_286 : memref<16xf32, #tpu.memory_space<hbm>>)
      tpu.yield
    }) : () -> ()
    return
  }
}

module attributes {stable_mosaic.version = 14 : i64} {
  func.func @_tc_body(%arg0: i32, %arg1: memref<128x8192xf32, #tpu.memory_space<vmem>>, %arg2: memref<128x2048xf32, #tpu.memory_space<vmem>>, %arg3: memref<512x128xf32, #tpu.memory_space<vmem>>, %arg4: memref<1x128xf32, #tpu.memory_space<vmem>>, %arg5: memref<128x2048xf32, #tpu.memory_space<vmem>>) attributes {dimension_semantics = [#tpu.dimension_semantics<arbitrary>], iteration_bounds = array<i64: 4>, scalar_prefetch = 0 : i64, scratch_operands = 1 : i64, tpu.core_type = #tpu.core_type<tc>, window_params = [{transform_indices = @transform_0, window_bounds = array<i64: 128, 8192>}, {transform_indices = @transform_1, window_bounds = array<i64: 128, 2048>}, {pipeline_mode = #tpu.pipeline_mode<synchronous>, transform_indices = @transform_2, window_bounds = array<i64: 512, 128>}, {pipeline_mode = #tpu.pipeline_mode<synchronous>, transform_indices = @transform_3, window_bounds = array<i64: 1, 128>}]} {
    %get3A = arith.constant 0 : index
    %get3A_0 = arith.constant 0 : index
    %get3A_1 = vector.load %arg2[%get3A, %get3A_0] : memref<128x2048xf32, #tpu.memory_space<vmem>>, vector<128x2048xf32>
    %roll3A = arith.constant 1 : i32
    %roll3A_2 = tpu.dynamic_rotate %get3A_1 by %roll3A dim 1 : vector<128x2048xf32>, i32 -> vector<128x2048xf32>
    %sub3A = arith.subf %get3A_1, %roll3A_2 : vector<128x2048xf32>
    %roll3A_3 = arith.constant 2047 : i32
    %roll3A_4 = tpu.dynamic_rotate %sub3A by %roll3A_3 dim 1 : vector<128x2048xf32>, i32 -> vector<128x2048xf32>
    %iota3A = tpu.iota {dimensions = array<i32: 1>} : vector<128x2048xi32>
    %ge3A = arith.constant 1 : i32
    %ge3A_5 = vector.broadcast %ge3A : i32 to vector<128x2048xi32>
    %ge3A_6 = arith.cmpi sge, %iota3A, %ge3A_5 : vector<128x2048xi32>
    %le3A = arith.constant 2046 : i32
    %le3A_7 = vector.broadcast %le3A : i32 to vector<128x2048xi32>
    %le3A_8 = arith.cmpi sle, %iota3A, %le3A_7 : vector<128x2048xi32>
    %and3A = arith.andi %ge3A_6, %le3A_8 : vector<128x2048xi1>
    %mul3A = arith.mulf %sub3A, %roll3A_4 : vector<128x2048xf32>
    %lt3A = arith.constant 0.000000e+00 : f32
    %lt3A_9 = vector.broadcast %lt3A : f32 to vector<128x2048xf32>
    %lt3A_10 = arith.cmpf olt, %mul3A, %lt3A_9 : vector<128x2048xf32>
    %gt3A = arith.constant 0.000000e+00 : f32
    %gt3A_11 = vector.broadcast %gt3A : f32 to vector<128x2048xf32>
    %gt3A_12 = arith.cmpf ogt, %sub3A, %gt3A_11 : vector<128x2048xf32>
    %and3A_13 = arith.andi %lt3A_10, %gt3A_12 : vector<128x2048xi1>
    %and3A_14 = arith.andi %and3A_13, %and3A : vector<128x2048xi1>
    %convert_element_type3A = arith.extui %and3A_14 : vector<128x2048xi1> to vector<128x2048xi32>
    %convert_element_type3A_15 = arith.sitofp %convert_element_type3A : vector<128x2048xi32> to vector<128x2048xf32>
    %swap3A = arith.constant 0 : index
    %swap3A_16 = arith.constant 0 : index
    %swap3A_17 = vector.load %arg5[%swap3A, %swap3A_16] : memref<128x2048xf32, #tpu.memory_space<vmem>>, vector<128x2048xf32>
    tpu.vector_store %arg5[%swap3A, %swap3A_16], %convert_element_type3A_15 {strides = array<i32>} : memref<128x2048xf32, #tpu.memory_space<vmem>>, vector<128x2048xf32>,
    %reduce_sum3A = arith.constant dense<0.000000e+00> : vector<128xf32>
    %reduce_sum3A_18 = vector.multi_reduction <add>, %convert_element_type3A_15, %reduce_sum3A [1] : vector<128x2048xf32> to vector<128xf32>
    %get3A_19 = arith.constant 0 : index
    %get3A_20 = arith.constant 0 : index
    %get3A_21 = vector.load %arg3[%get3A_19, %get3A_20] : memref<512x128xf32, #tpu.memory_space<vmem>>, vector<512x128xf32>
    %broadcast_in_dim3A = arith.constant 0.000000e+00 : f32
    %broadcast_in_dim3A_22 = vector.broadcast %broadcast_in_dim3A : f32 to vector<128x128xf32>
    %broadcast_in_dim3A_23 = arith.constant 0.000000e+00 : f32
    %broadcast_in_dim3A_24 = vector.broadcast %broadcast_in_dim3A_23 : f32 to vector<128x128xf32>
    %get3A_25 = arith.constant 0 : index
    %get3A_26 = arith.constant 0 : index
    %get3A_27 = vector.load %arg1[%get3A_25, %get3A_26] : memref<128x8192xf32, #tpu.memory_space<vmem>>, vector<128x512xf32>
    %roll3A_28 = arith.constant 511 : i32
    %roll3A_29 = tpu.dynamic_rotate %get3A_27 by %roll3A_28 dim 1 : vector<128x512xf32>, i32 -> vector<128x512xf32>
    %max3A = arith.maximumf %get3A_27, %roll3A_29 : vector<128x512xf32>
    %roll3A_30 = arith.constant 510 : i32
    %roll3A_31 = tpu.dynamic_rotate %max3A by %roll3A_30 dim 1 : vector<128x512xf32>, i32 -> vector<128x512xf32>
    %max3A_32 = arith.maximumf %max3A, %roll3A_31 : vector<128x512xf32>
    %convert_element_type3A_33 = arith.truncf %max3A_32 : vector<128x512xf32> to vector<128x512xbf16>
    %convert_element_type3A_34 = arith.extf %convert_element_type3A_33 : vector<128x512xbf16> to vector<128x512xf32>
    %sub3A_35 = arith.subf %max3A_32, %convert_element_type3A_34 : vector<128x512xf32>
    %dot_general3A = arith.constant dense<0.000000e+00> : vector<128x128xf32>
    %dot_general3A_36 = tpu.matmul %convert_element_type3A_34, %get3A_21, %dot_general3A {dimension_numbers = #tpu.dot_dimension_numbers<[1], [0], [0], [1], [0, 0, 1, 1], [], []>, transpose_lhs_hint = false} : vector<128x512xf32>, vector<512x128xf32>, vector<128x128xf32> -> vector<128x128xf32>
    %dot_general3A_37 = arith.constant dense<0.000000e+00> : vector<128x128xf32>
    %dot_general3A_38 = tpu.matmul %sub3A_35, %get3A_21, %dot_general3A_37 {dimension_numbers = #tpu.dot_dimension_numbers<[1], [0], [0], [1], [0, 0, 1, 1], [], []>, transpose_lhs_hint = false} : vector<128x512xf32>, vector<512x128xf32>, vector<128x128xf32> -> vector<128x128xf32>
    %add3A = arith.addf %dot_general3A_36, %dot_general3A_38 : vector<128x128xf32>
    %get3A_39 = arith.constant 0 : index
    %get3A_40 = arith.constant 0 : index
    %get3A_41 = vector.load %arg2[%get3A_39, %get3A_40] : memref<128x2048xf32, #tpu.memory_space<vmem>>, vector<128x128xf32>
    %get3A_42 = arith.constant 0 : index
    %get3A_43 = arith.constant 0 : index
    %get3A_44 = vector.load %arg5[%get3A_42, %get3A_43] : memref<128x2048xf32, #tpu.memory_space<vmem>>, vector<128x128xf32>
    %sub3A_45 = arith.subf %add3A, %get3A_41 : vector<128x128xf32>
    %mul3A_46 = arith.mulf %get3A_44, %sub3A_45 : vector<128x128xf32>
    %mul3A_47 = arith.mulf %mul3A_46, %sub3A_45 : vector<128x128xf32>
    %add3A_48 = arith.addf %broadcast_in_dim3A_22, %mul3A_47 : vector<128x128xf32>
    %get3A_49 = arith.constant 0 : index
    %get3A_50 = arith.constant 512 : index
    %get3A_51 = vector.load %arg1[%get3A_49, %get3A_50] : memref<128x8192xf32, #tpu.memory_space<vmem>>, vector<128x512xf32>
    %roll3A_52 = arith.constant 511 : i32
    %roll3A_53 = tpu.dynamic_rotate %get3A_51 by %roll3A_52 dim 1 : vector<128x512xf32>, i32 -> vector<128x512xf32>
    %max3A_54 = arith.maximumf %get3A_51, %roll3A_53 : vector<128x512xf32>
    %roll3A_55 = arith.constant 510 : i32
    %roll3A_56 = tpu.dynamic_rotate %max3A_54 by %roll3A_55 dim 1 : vector<128x512xf32>, i32 -> vector<128x512xf32>
    %max3A_57 = arith.maximumf %max3A_54, %roll3A_56 : vector<128x512xf32>
    %convert_element_type3A_58 = arith.truncf %max3A_57 : vector<128x512xf32> to vector<128x512xbf16>
    %convert_element_type3A_59 = arith.extf %convert_element_type3A_58 : vector<128x512xbf16> to vector<128x512xf32>
    %sub3A_60 = arith.subf %max3A_57, %convert_element_type3A_59 : vector<128x512xf32>
    %dot_general3A_61 = arith.constant dense<0.000000e+00> : vector<128x128xf32>
    %dot_general3A_62 = tpu.matmul %convert_element_type3A_59, %get3A_21, %dot_general3A_61 {dimension_numbers = #tpu.dot_dimension_numbers<[1], [0], [0], [1], [0, 0, 1, 1], [], []>, transpose_lhs_hint = false} : vector<128x512xf32>, vector<512x128xf32>, vector<128x128xf32> -> vector<128x128xf32>
    %dot_general3A_63 = arith.constant dense<0.000000e+00> : vector<128x128xf32>
    %dot_general3A_64 = tpu.matmul %sub3A_60, %get3A_21, %dot_general3A_63 {dimension_numbers = #tpu.dot_dimension_numbers<[1], [0], [0], [1], [0, 0, 1, 1], [], []>, transpose_lhs_hint = false} : vector<128x512xf32>, vector<512x128xf32>, vector<128x128xf32> -> vector<128x128xf32>
    %add3A_65 = arith.addf %dot_general3A_62, %dot_general3A_64 : vector<128x128xf32>
    %get3A_66 = arith.constant 0 : index
    %get3A_67 = arith.constant 128 : index
    %get3A_68 = vector.load %arg2[%get3A_66, %get3A_67] : memref<128x2048xf32, #tpu.memory_space<vmem>>, vector<128x128xf32>
    %get3A_69 = arith.constant 0 : index
    %get3A_70 = arith.constant 128 : index
    %get3A_71 = vector.load %arg5[%get3A_69, %get3A_70] : memref<128x2048xf32, #tpu.memory_space<vmem>>, vector<128x128xf32>
    %sub3A_72 = arith.subf %add3A_65, %get3A_68 : vector<128x128xf32>
    %mul3A_73 = arith.mulf %get3A_71, %sub3A_72 : vector<128x128xf32>
    %mul3A_74 = arith.mulf %mul3A_73, %sub3A_72 : vector<128x128xf32>
    %add3A_75 = arith.addf %broadcast_in_dim3A_24, %mul3A_74 : vector<128x128xf32>
    %get3A_76 = arith.constant 0 : index
    %get3A_77 = arith.constant 1024 : index
    %get3A_78 = vector.load %arg1[%get3A_76, %get3A_77] : memref<128x8192xf32, #tpu.memory_space<vmem>>, vector<128x512xf32>
    %roll3A_79 = arith.constant 511 : i32
    %roll3A_80 = tpu.dynamic_rotate %get3A_78 by %roll3A_79 dim 1 : vector<128x512xf32>, i32 -> vector<128x512xf32>
    %max3A_81 = arith.maximumf %get3A_78, %roll3A_80 : vector<128x512xf32>
    %roll3A_82 = arith.constant 510 : i32
    %roll3A_83 = tpu.dynamic_rotate %max3A_81 by %roll3A_82 dim 1 : vector<128x512xf32>, i32 -> vector<128x512xf32>
    %max3A_84 = arith.maximumf %max3A_81, %roll3A_83 : vector<128x512xf32>
    %convert_element_type3A_85 = arith.truncf %max3A_84 : vector<128x512xf32> to vector<128x512xbf16>
    %convert_element_type3A_86 = arith.extf %convert_element_type3A_85 : vector<128x512xbf16> to vector<128x512xf32>
    %sub3A_87 = arith.subf %max3A_84, %convert_element_type3A_86 : vector<128x512xf32>
    %dot_general3A_88 = arith.constant dense<0.000000e+00> : vector<128x128xf32>
    %dot_general3A_89 = tpu.matmul %convert_element_type3A_86, %get3A_21, %dot_general3A_88 {dimension_numbers = #tpu.dot_dimension_numbers<[1], [0], [0], [1], [0, 0, 1, 1], [], []>, transpose_lhs_hint = false} : vector<128x512xf32>, vector<512x128xf32>, vector<128x128xf32> -> vector<128x128xf32>
    %dot_general3A_90 = arith.constant dense<0.000000e+00> : vector<128x128xf32>
    %dot_general3A_91 = tpu.matmul %sub3A_87, %get3A_21, %dot_general3A_90 {dimension_numbers = #tpu.dot_dimension_numbers<[1], [0], [0], [1], [0, 0, 1, 1], [], []>, transpose_lhs_hint = false} : vector<128x512xf32>, vector<512x128xf32>, vector<128x128xf32> -> vector<128x128xf32>
    %add3A_92 = arith.addf %dot_general3A_89, %dot_general3A_91 : vector<128x128xf32>
    %get3A_93 = arith.constant 0 : index
    %get3A_94 = arith.constant 256 : index
    %get3A_95 = vector.load %arg2[%get3A_93, %get3A_94] : memref<128x2048xf32, #tpu.memory_space<vmem>>, vector<128x128xf32>
    %get3A_96 = arith.constant 0 : index
    %get3A_97 = arith.constant 256 : index
    %get3A_98 = vector.load %arg5[%get3A_96, %get3A_97] : memref<128x2048xf32, #tpu.memory_space<vmem>>, vector<128x128xf32>
    %sub3A_99 = arith.subf %add3A_92, %get3A_95 : vector<128x128xf32>
    %mul3A_100 = arith.mulf %get3A_98, %sub3A_99 : vector<128x128xf32>
    %mul3A_101 = arith.mulf %mul3A_100, %sub3A_99 : vector<128x128xf32>
    %add3A_102 = arith.addf %add3A_48, %mul3A_101 : vector<128x128xf32>
    %get3A_103 = arith.constant 0 : index
    %get3A_104 = arith.constant 1536 : index
    %get3A_105 = vector.load %arg1[%get3A_103, %get3A_104] : memref<128x8192xf32, #tpu.memory_space<vmem>>, vector<128x512xf32>
    %roll3A_106 = arith.constant 511 : i32
    %roll3A_107 = tpu.dynamic_rotate %get3A_105 by %roll3A_106 dim 1 : vector<128x512xf32>, i32 -> vector<128x512xf32>
    %max3A_108 = arith.maximumf %get3A_105, %roll3A_107 : vector<128x512xf32>
    %roll3A_109 = arith.constant 510 : i32
    %roll3A_110 = tpu.dynamic_rotate %max3A_108 by %roll3A_109 dim 1 : vector<128x512xf32>, i32 -> vector<128x512xf32>
    %max3A_111 = arith.maximumf %max3A_108, %roll3A_110 : vector<128x512xf32>
    %convert_element_type3A_112 = arith.truncf %max3A_111 : vector<128x512xf32> to vector<128x512xbf16>
    %convert_element_type3A_113 = arith.extf %convert_element_type3A_112 : vector<128x512xbf16> to vector<128x512xf32>
    %sub3A_114 = arith.subf %max3A_111, %convert_element_type3A_113 : vector<128x512xf32>
    %dot_general3A_115 = arith.constant dense<0.000000e+00> : vector<128x128xf32>
    %dot_general3A_116 = tpu.matmul %convert_element_type3A_113, %get3A_21, %dot_general3A_115 {dimension_numbers = #tpu.dot_dimension_numbers<[1], [0], [0], [1], [0, 0, 1, 1], [], []>, transpose_lhs_hint = false} : vector<128x512xf32>, vector<512x128xf32>, vector<128x128xf32> -> vector<128x128xf32>
    %dot_general3A_117 = arith.constant dense<0.000000e+00> : vector<128x128xf32>
    %dot_general3A_118 = tpu.matmul %sub3A_114, %get3A_21, %dot_general3A_117 {dimension_numbers = #tpu.dot_dimension_numbers<[1], [0], [0], [1], [0, 0, 1, 1], [], []>, transpose_lhs_hint = false} : vector<128x512xf32>, vector<512x128xf32>, vector<128x128xf32> -> vector<128x128xf32>
    %add3A_119 = arith.addf %dot_general3A_116, %dot_general3A_118 : vector<128x128xf32>
    %get3A_120 = arith.constant 0 : index
    %get3A_121 = arith.constant 384 : index
    %get3A_122 = vector.load %arg2[%get3A_120, %get3A_121] : memref<128x2048xf32, #tpu.memory_space<vmem>>, vector<128x128xf32>
    %get3A_123 = arith.constant 0 : index
    %get3A_124 = arith.constant 384 : index
    %get3A_125 = vector.load %arg5[%get3A_123, %get3A_124] : memref<128x2048xf32, #tpu.memory_space<vmem>>, vector<128x128xf32>
    %sub3A_126 = arith.subf %add3A_119, %get3A_122 : vector<128x128xf32>
    %mul3A_127 = arith.mulf %get3A_125, %sub3A_126 : vector<128x128xf32>
    %mul3A_128 = arith.mulf %mul3A_127, %sub3A_126 : vector<128x128xf32>
    %add3A_129 = arith.addf %add3A_75, %mul3A_128 : vector<128x128xf32>
    %get3A_130 = arith.constant 0 : index
    %get3A_131 = arith.constant 2048 : index
    %get3A_132 = vector.load %arg1[%get3A_130, %get3A_131] : memref<128x8192xf32, #tpu.memory_space<vmem>>, vector<128x512xf32>
    %roll3A_133 = arith.constant 511 : i32
    %roll3A_134 = tpu.dynamic_rotate %get3A_132 by %roll3A_133 dim 1 : vector<128x512xf32>, i32 -> vector<128x512xf32>
    %max3A_135 = arith.maximumf %get3A_132, %roll3A_134 : vector<128x512xf32>
    %roll3A_136 = arith.constant 510 : i32
    %roll3A_137 = tpu.dynamic_rotate %max3A_135 by %roll3A_136 dim 1 : vector<128x512xf32>, i32 -> vector<128x512xf32>
    %max3A_138 = arith.maximumf %max3A_135, %roll3A_137 : vector<128x512xf32>
    %convert_element_type3A_139 = arith.truncf %max3A_138 : vector<128x512xf32> to vector<128x512xbf16>
    %convert_element_type3A_140 = arith.extf %convert_element_type3A_139 : vector<128x512xbf16> to vector<128x512xf32>
    %sub3A_141 = arith.subf %max3A_138, %convert_element_type3A_140 : vector<128x512xf32>
    %dot_general3A_142 = arith.constant dense<0.000000e+00> : vector<128x128xf32>
    %dot_general3A_143 = tpu.matmul %convert_element_type3A_140, %get3A_21, %dot_general3A_142 {dimension_numbers = #tpu.dot_dimension_numbers<[1], [0], [0], [1], [0, 0, 1, 1], [], []>, transpose_lhs_hint = false} : vector<128x512xf32>, vector<512x128xf32>, vector<128x128xf32> -> vector<128x128xf32>
    %dot_general3A_144 = arith.constant dense<0.000000e+00> : vector<128x128xf32>
    %dot_general3A_145 = tpu.matmul %sub3A_141, %get3A_21, %dot_general3A_144 {dimension_numbers = #tpu.dot_dimension_numbers<[1], [0], [0], [1], [0, 0, 1, 1], [], []>, transpose_lhs_hint = false} : vector<128x512xf32>, vector<512x128xf32>, vector<128x128xf32> -> vector<128x128xf32>
    %add3A_146 = arith.addf %dot_general3A_143, %dot_general3A_145 : vector<128x128xf32>
    %get3A_147 = arith.constant 0 : index
    %get3A_148 = arith.constant 512 : index
    %get3A_149 = vector.load %arg2[%get3A_147, %get3A_148] : memref<128x2048xf32, #tpu.memory_space<vmem>>, vector<128x128xf32>
    %get3A_150 = arith.constant 0 : index
    %get3A_151 = arith.constant 512 : index
    %get3A_152 = vector.load %arg5[%get3A_150, %get3A_151] : memref<128x2048xf32, #tpu.memory_space<vmem>>, vector<128x128xf32>
    %sub3A_153 = arith.subf %add3A_146, %get3A_149 : vector<128x128xf32>
    %mul3A_154 = arith.mulf %get3A_152, %sub3A_153 : vector<128x128xf32>
    %mul3A_155 = arith.mulf %mul3A_154, %sub3A_153 : vector<128x128xf32>
    %add3A_156 = arith.addf %add3A_102, %mul3A_155 : vector<128x128xf32>
    %get3A_157 = arith.constant 0 : index
    %get3A_158 = arith.constant 2560 : index
    %get3A_159 = vector.load %arg1[%get3A_157, %get3A_158] : memref<128x8192xf32, #tpu.memory_space<vmem>>, vector<128x512xf32>
    %roll3A_160 = arith.constant 511 : i32
    %roll3A_161 = tpu.dynamic_rotate %get3A_159 by %roll3A_160 dim 1 : vector<128x512xf32>, i32 -> vector<128x512xf32>
    %max3A_162 = arith.maximumf %get3A_159, %roll3A_161 : vector<128x512xf32>
    %roll3A_163 = arith.constant 510 : i32
    %roll3A_164 = tpu.dynamic_rotate %max3A_162 by %roll3A_163 dim 1 : vector<128x512xf32>, i32 -> vector<128x512xf32>
    %max3A_165 = arith.maximumf %max3A_162, %roll3A_164 : vector<128x512xf32>
    %convert_element_type3A_166 = arith.truncf %max3A_165 : vector<128x512xf32> to vector<128x512xbf16>
    %convert_element_type3A_167 = arith.extf %convert_element_type3A_166 : vector<128x512xbf16> to vector<128x512xf32>
    %sub3A_168 = arith.subf %max3A_165, %convert_element_type3A_167 : vector<128x512xf32>
    %dot_general3A_169 = arith.constant dense<0.000000e+00> : vector<128x128xf32>
    %dot_general3A_170 = tpu.matmul %convert_element_type3A_167, %get3A_21, %dot_general3A_169 {dimension_numbers = #tpu.dot_dimension_numbers<[1], [0], [0], [1], [0, 0, 1, 1], [], []>, transpose_lhs_hint = false} : vector<128x512xf32>, vector<512x128xf32>, vector<128x128xf32> -> vector<128x128xf32>
    %dot_general3A_171 = arith.constant dense<0.000000e+00> : vector<128x128xf32>
    %dot_general3A_172 = tpu.matmul %sub3A_168, %get3A_21, %dot_general3A_171 {dimension_numbers = #tpu.dot_dimension_numbers<[1], [0], [0], [1], [0, 0, 1, 1], [], []>, transpose_lhs_hint = false} : vector<128x512xf32>, vector<512x128xf32>, vector<128x128xf32> -> vector<128x128xf32>
    %add3A_173 = arith.addf %dot_general3A_170, %dot_general3A_172 : vector<128x128xf32>
    %get3A_174 = arith.constant 0 : index
    %get3A_175 = arith.constant 640 : index
    %get3A_176 = vector.load %arg2[%get3A_174, %get3A_175] : memref<128x2048xf32, #tpu.memory_space<vmem>>, vector<128x128xf32>
    %get3A_177 = arith.constant 0 : index
    %get3A_178 = arith.constant 640 : index
    %get3A_179 = vector.load %arg5[%get3A_177, %get3A_178] : memref<128x2048xf32, #tpu.memory_space<vmem>>, vector<128x128xf32>
    %sub3A_180 = arith.subf %add3A_173, %get3A_176 : vector<128x128xf32>
    %mul3A_181 = arith.mulf %get3A_179, %sub3A_180 : vector<128x128xf32>
    %mul3A_182 = arith.mulf %mul3A_181, %sub3A_180 : vector<128x128xf32>
    %add3A_183 = arith.addf %add3A_129, %mul3A_182 : vector<128x128xf32>
    %get3A_184 = arith.constant 0 : index
    %get3A_185 = arith.constant 3072 : index
    %get3A_186 = vector.load %arg1[%get3A_184, %get3A_185] : memref<128x8192xf32, #tpu.memory_space<vmem>>, vector<128x512xf32>
    %roll3A_187 = arith.constant 511 : i32
    %roll3A_188 = tpu.dynamic_rotate %get3A_186 by %roll3A_187 dim 1 : vector<128x512xf32>, i32 -> vector<128x512xf32>
    %max3A_189 = arith.maximumf %get3A_186, %roll3A_188 : vector<128x512xf32>
    %roll3A_190 = arith.constant 510 : i32
    %roll3A_191 = tpu.dynamic_rotate %max3A_189 by %roll3A_190 dim 1 : vector<128x512xf32>, i32 -> vector<128x512xf32>
    %max3A_192 = arith.maximumf %max3A_189, %roll3A_191 : vector<128x512xf32>
    %convert_element_type3A_193 = arith.truncf %max3A_192 : vector<128x512xf32> to vector<128x512xbf16>
    %convert_element_type3A_194 = arith.extf %convert_element_type3A_193 : vector<128x512xbf16> to vector<128x512xf32>
    %sub3A_195 = arith.subf %max3A_192, %convert_element_type3A_194 : vector<128x512xf32>
    %dot_general3A_196 = arith.constant dense<0.000000e+00> : vector<128x128xf32>
    %dot_general3A_197 = tpu.matmul %convert_element_type3A_194, %get3A_21, %dot_general3A_196 {dimension_numbers = #tpu.dot_dimension_numbers<[1], [0], [0], [1], [0, 0, 1, 1], [], []>, transpose_lhs_hint = false} : vector<128x512xf32>, vector<512x128xf32>, vector<128x128xf32> -> vector<128x128xf32>
    %dot_general3A_198 = arith.constant dense<0.000000e+00> : vector<128x128xf32>
    %dot_general3A_199 = tpu.matmul %sub3A_195, %get3A_21, %dot_general3A_198 {dimension_numbers = #tpu.dot_dimension_numbers<[1], [0], [0], [1], [0, 0, 1, 1], [], []>, transpose_lhs_hint = false} : vector<128x512xf32>, vector<512x128xf32>, vector<128x128xf32> -> vector<128x128xf32>
    %add3A_200 = arith.addf %dot_general3A_197, %dot_general3A_199 : vector<128x128xf32>
    %get3A_201 = arith.constant 0 : index
    %get3A_202 = arith.constant 768 : index
    %get3A_203 = vector.load %arg2[%get3A_201, %get3A_202] : memref<128x2048xf32, #tpu.memory_space<vmem>>, vector<128x128xf32>
    %get3A_204 = arith.constant 0 : index
    %get3A_205 = arith.constant 768 : index
    %get3A_206 = vector.load %arg5[%get3A_204, %get3A_205] : memref<128x2048xf32, #tpu.memory_space<vmem>>, vector<128x128xf32>
    %sub3A_207 = arith.subf %add3A_200, %get3A_203 : vector<128x128xf32>
    %mul3A_208 = arith.mulf %get3A_206, %sub3A_207 : vector<128x128xf32>
    %mul3A_209 = arith.mulf %mul3A_208, %sub3A_207 : vector<128x128xf32>
    %add3A_210 = arith.addf %add3A_156, %mul3A_209 : vector<128x128xf32>
    %get3A_211 = arith.constant 0 : index
    %get3A_212 = arith.constant 3584 : index
    %get3A_213 = vector.load %arg1[%get3A_211, %get3A_212] : memref<128x8192xf32, #tpu.memory_space<vmem>>, vector<128x512xf32>
    %roll3A_214 = arith.constant 511 : i32
    %roll3A_215 = tpu.dynamic_rotate %get3A_213 by %roll3A_214 dim 1 : vector<128x512xf32>, i32 -> vector<128x512xf32>
    %max3A_216 = arith.maximumf %get3A_213, %roll3A_215 : vector<128x512xf32>
    %roll3A_217 = arith.constant 510 : i32
    %roll3A_218 = tpu.dynamic_rotate %max3A_216 by %roll3A_217 dim 1 : vector<128x512xf32>, i32 -> vector<128x512xf32>
    %max3A_219 = arith.maximumf %max3A_216, %roll3A_218 : vector<128x512xf32>
    %convert_element_type3A_220 = arith.truncf %max3A_219 : vector<128x512xf32> to vector<128x512xbf16>
    %convert_element_type3A_221 = arith.extf %convert_element_type3A_220 : vector<128x512xbf16> to vector<128x512xf32>
    %sub3A_222 = arith.subf %max3A_219, %convert_element_type3A_221 : vector<128x512xf32>
    %dot_general3A_223 = arith.constant dense<0.000000e+00> : vector<128x128xf32>
    %dot_general3A_224 = tpu.matmul %convert_element_type3A_221, %get3A_21, %dot_general3A_223 {dimension_numbers = #tpu.dot_dimension_numbers<[1], [0], [0], [1], [0, 0, 1, 1], [], []>, transpose_lhs_hint = false} : vector<128x512xf32>, vector<512x128xf32>, vector<128x128xf32> -> vector<128x128xf32>
    %dot_general3A_225 = arith.constant dense<0.000000e+00> : vector<128x128xf32>
    %dot_general3A_226 = tpu.matmul %sub3A_222, %get3A_21, %dot_general3A_225 {dimension_numbers = #tpu.dot_dimension_numbers<[1], [0], [0], [1], [0, 0, 1, 1], [], []>, transpose_lhs_hint = false} : vector<128x512xf32>, vector<512x128xf32>, vector<128x128xf32> -> vector<128x128xf32>
    %add3A_227 = arith.addf %dot_general3A_224, %dot_general3A_226 : vector<128x128xf32>
    %get3A_228 = arith.constant 0 : index
    %get3A_229 = arith.constant 896 : index
    %get3A_230 = vector.load %arg2[%get3A_228, %get3A_229] : memref<128x2048xf32, #tpu.memory_space<vmem>>, vector<128x128xf32>
    %get3A_231 = arith.constant 0 : index
    %get3A_232 = arith.constant 896 : index
    %get3A_233 = vector.load %arg5[%get3A_231, %get3A_232] : memref<128x2048xf32, #tpu.memory_space<vmem>>, vector<128x128xf32>
    %sub3A_234 = arith.subf %add3A_227, %get3A_230 : vector<128x128xf32>
    %mul3A_235 = arith.mulf %get3A_233, %sub3A_234 : vector<128x128xf32>
    %mul3A_236 = arith.mulf %mul3A_235, %sub3A_234 : vector<128x128xf32>
    %add3A_237 = arith.addf %add3A_183, %mul3A_236 : vector<128x128xf32>
    %get3A_238 = arith.constant 0 : index
    %get3A_239 = arith.constant 4096 : index
    %get3A_240 = vector.load %arg1[%get3A_238, %get3A_239] : memref<128x8192xf32, #tpu.memory_space<vmem>>, vector<128x512xf32>
    %roll3A_241 = arith.constant 511 : i32
    %roll3A_242 = tpu.dynamic_rotate %get3A_240 by %roll3A_241 dim 1 : vector<128x512xf32>, i32 -> vector<128x512xf32>
    %max3A_243 = arith.maximumf %get3A_240, %roll3A_242 : vector<128x512xf32>
    %roll3A_244 = arith.constant 510 : i32
    %roll3A_245 = tpu.dynamic_rotate %max3A_243 by %roll3A_244 dim 1 : vector<128x512xf32>, i32 -> vector<128x512xf32>
    %max3A_246 = arith.maximumf %max3A_243, %roll3A_245 : vector<128x512xf32>
    %convert_element_type3A_247 = arith.truncf %max3A_246 : vector<128x512xf32> to vector<128x512xbf16>
    %convert_element_type3A_248 = arith.extf %convert_element_type3A_247 : vector<128x512xbf16> to vector<128x512xf32>
    %sub3A_249 = arith.subf %max3A_246, %convert_element_type3A_248 : vector<128x512xf32>
    %dot_general3A_250 = arith.constant dense<0.000000e+00> : vector<128x128xf32>
    %dot_general3A_251 = tpu.matmul %convert_element_type3A_248, %get3A_21, %dot_general3A_250 {dimension_numbers = #tpu.dot_dimension_numbers<[1], [0], [0], [1], [0, 0, 1, 1], [], []>, transpose_lhs_hint = false} : vector<128x512xf32>, vector<512x128xf32>, vector<128x128xf32> -> vector<128x128xf32>
    %dot_general3A_252 = arith.constant dense<0.000000e+00> : vector<128x128xf32>
    %dot_general3A_253 = tpu.matmul %sub3A_249, %get3A_21, %dot_general3A_252 {dimension_numbers = #tpu.dot_dimension_numbers<[1], [0], [0], [1], [0, 0, 1, 1], [], []>, transpose_lhs_hint = false} : vector<128x512xf32>, vector<512x128xf32>, vector<128x128xf32> -> vector<128x128xf32>
    %add3A_254 = arith.addf %dot_general3A_251, %dot_general3A_253 : vector<128x128xf32>
    %get3A_255 = arith.constant 0 : index
    %get3A_256 = arith.constant 1024 : index
    %get3A_257 = vector.load %arg2[%get3A_255, %get3A_256] : memref<128x2048xf32, #tpu.memory_space<vmem>>, vector<128x128xf32>
    %get3A_258 = arith.constant 0 : index
    %get3A_259 = arith.constant 1024 : index
    %get3A_260 = vector.load %arg5[%get3A_258, %get3A_259] : memref<128x2048xf32, #tpu.memory_space<vmem>>, vector<128x128xf32>
    %sub3A_261 = arith.subf %add3A_254, %get3A_257 : vector<128x128xf32>
    %mul3A_262 = arith.mulf %get3A_260, %sub3A_261 : vector<128x128xf32>
    %mul3A_263 = arith.mulf %mul3A_262, %sub3A_261 : vector<128x128xf32>
    %add3A_264 = arith.addf %add3A_210, %mul3A_263 : vector<128x128xf32>
    %get3A_265 = arith.constant 0 : index
    %get3A_266 = arith.constant 4608 : index
    %get3A_267 = vector.load %arg1[%get3A_265, %get3A_266] : memref<128x8192xf32, #tpu.memory_space<vmem>>, vector<128x512xf32>
    %roll3A_268 = arith.constant 511 : i32
    %roll3A_269 = tpu.dynamic_rotate %get3A_267 by %roll3A_268 dim 1 : vector<128x512xf32>, i32 -> vector<128x512xf32>
    %max3A_270 = arith.maximumf %get3A_267, %roll3A_269 : vector<128x512xf32>
    %roll3A_271 = arith.constant 510 : i32
    %roll3A_272 = tpu.dynamic_rotate %max3A_270 by %roll3A_271 dim 1 : vector<128x512xf32>, i32 -> vector<128x512xf32>
    %max3A_273 = arith.maximumf %max3A_270, %roll3A_272 : vector<128x512xf32>
    %convert_element_type3A_274 = arith.truncf %max3A_273 : vector<128x512xf32> to vector<128x512xbf16>
    %convert_element_type3A_275 = arith.extf %convert_element_type3A_274 : vector<128x512xbf16> to vector<128x512xf32>
    %sub3A_276 = arith.subf %max3A_273, %convert_element_type3A_275 : vector<128x512xf32>
    %dot_general3A_277 = arith.constant dense<0.000000e+00> : vector<128x128xf32>
    %dot_general3A_278 = tpu.matmul %convert_element_type3A_275, %get3A_21, %dot_general3A_277 {dimension_numbers = #tpu.dot_dimension_numbers<[1], [0], [0], [1], [0, 0, 1, 1], [], []>, transpose_lhs_hint = false} : vector<128x512xf32>, vector<512x128xf32>, vector<128x128xf32> -> vector<128x128xf32>
    %dot_general3A_279 = arith.constant dense<0.000000e+00> : vector<128x128xf32>
    %dot_general3A_280 = tpu.matmul %sub3A_276, %get3A_21, %dot_general3A_279 {dimension_numbers = #tpu.dot_dimension_numbers<[1], [0], [0], [1], [0, 0, 1, 1], [], []>, transpose_lhs_hint = false} : vector<128x512xf32>, vector<512x128xf32>, vector<128x128xf32> -> vector<128x128xf32>
    %add3A_281 = arith.addf %dot_general3A_278, %dot_general3A_280 : vector<128x128xf32>
    %get3A_282 = arith.constant 0 : index
    %get3A_283 = arith.constant 1152 : index
    %get3A_284 = vector.load %arg2[%get3A_282, %get3A_283] : memref<128x2048xf32, #tpu.memory_space<vmem>>, vector<128x128xf32>
    %get3A_285 = arith.constant 0 : index
    %get3A_286 = arith.constant 1152 : index
    %get3A_287 = vector.load %arg5[%get3A_285, %get3A_286] : memref<128x2048xf32, #tpu.memory_space<vmem>>, vector<128x128xf32>
    %sub3A_288 = arith.subf %add3A_281, %get3A_284 : vector<128x128xf32>
    %mul3A_289 = arith.mulf %get3A_287, %sub3A_288 : vector<128x128xf32>
    %mul3A_290 = arith.mulf %mul3A_289, %sub3A_288 : vector<128x128xf32>
    %add3A_291 = arith.addf %add3A_237, %mul3A_290 : vector<128x128xf32>
    %get3A_292 = arith.constant 0 : index
    %get3A_293 = arith.constant 5120 : index
    %get3A_294 = vector.load %arg1[%get3A_292, %get3A_293] : memref<128x8192xf32, #tpu.memory_space<vmem>>, vector<128x512xf32>
    %roll3A_295 = arith.constant 511 : i32
    %roll3A_296 = tpu.dynamic_rotate %get3A_294 by %roll3A_295 dim 1 : vector<128x512xf32>, i32 -> vector<128x512xf32>
    %max3A_297 = arith.maximumf %get3A_294, %roll3A_296 : vector<128x512xf32>
    %roll3A_298 = arith.constant 510 : i32
    %roll3A_299 = tpu.dynamic_rotate %max3A_297 by %roll3A_298 dim 1 : vector<128x512xf32>, i32 -> vector<128x512xf32>
    %max3A_300 = arith.maximumf %max3A_297, %roll3A_299 : vector<128x512xf32>
    %convert_element_type3A_301 = arith.truncf %max3A_300 : vector<128x512xf32> to vector<128x512xbf16>
    %convert_element_type3A_302 = arith.extf %convert_element_type3A_301 : vector<128x512xbf16> to vector<128x512xf32>
    %sub3A_303 = arith.subf %max3A_300, %convert_element_type3A_302 : vector<128x512xf32>
    %dot_general3A_304 = arith.constant dense<0.000000e+00> : vector<128x128xf32>
    %dot_general3A_305 = tpu.matmul %convert_element_type3A_302, %get3A_21, %dot_general3A_304 {dimension_numbers = #tpu.dot_dimension_numbers<[1], [0], [0], [1], [0, 0, 1, 1], [], []>, transpose_lhs_hint = false} : vector<128x512xf32>, vector<512x128xf32>, vector<128x128xf32> -> vector<128x128xf32>
    %dot_general3A_306 = arith.constant dense<0.000000e+00> : vector<128x128xf32>
    %dot_general3A_307 = tpu.matmul %sub3A_303, %get3A_21, %dot_general3A_306 {dimension_numbers = #tpu.dot_dimension_numbers<[1], [0], [0], [1], [0, 0, 1, 1], [], []>, transpose_lhs_hint = false} : vector<128x512xf32>, vector<512x128xf32>, vector<128x128xf32> -> vector<128x128xf32>
    %add3A_308 = arith.addf %dot_general3A_305, %dot_general3A_307 : vector<128x128xf32>
    %get3A_309 = arith.constant 0 : index
    %get3A_310 = arith.constant 1280 : index
    %get3A_311 = vector.load %arg2[%get3A_309, %get3A_310] : memref<128x2048xf32, #tpu.memory_space<vmem>>, vector<128x128xf32>
    %get3A_312 = arith.constant 0 : index
    %get3A_313 = arith.constant 1280 : index
    %get3A_314 = vector.load %arg5[%get3A_312, %get3A_313] : memref<128x2048xf32, #tpu.memory_space<vmem>>, vector<128x128xf32>
    %sub3A_315 = arith.subf %add3A_308, %get3A_311 : vector<128x128xf32>
    %mul3A_316 = arith.mulf %get3A_314, %sub3A_315 : vector<128x128xf32>
    %mul3A_317 = arith.mulf %mul3A_316, %sub3A_315 : vector<128x128xf32>
    %add3A_318 = arith.addf %add3A_264, %mul3A_317 : vector<128x128xf32>
    %get3A_319 = arith.constant 0 : index
    %get3A_320 = arith.constant 5632 : index
    %get3A_321 = vector.load %arg1[%get3A_319, %get3A_320] : memref<128x8192xf32, #tpu.memory_space<vmem>>, vector<128x512xf32>
    %roll3A_322 = arith.constant 511 : i32
    %roll3A_323 = tpu.dynamic_rotate %get3A_321 by %roll3A_322 dim 1 : vector<128x512xf32>, i32 -> vector<128x512xf32>
    %max3A_324 = arith.maximumf %get3A_321, %roll3A_323 : vector<128x512xf32>
    %roll3A_325 = arith.constant 510 : i32
    %roll3A_326 = tpu.dynamic_rotate %max3A_324 by %roll3A_325 dim 1 : vector<128x512xf32>, i32 -> vector<128x512xf32>
    %max3A_327 = arith.maximumf %max3A_324, %roll3A_326 : vector<128x512xf32>
    %convert_element_type3A_328 = arith.truncf %max3A_327 : vector<128x512xf32> to vector<128x512xbf16>
    %convert_element_type3A_329 = arith.extf %convert_element_type3A_328 : vector<128x512xbf16> to vector<128x512xf32>
    %sub3A_330 = arith.subf %max3A_327, %convert_element_type3A_329 : vector<128x512xf32>
    %dot_general3A_331 = arith.constant dense<0.000000e+00> : vector<128x128xf32>
    %dot_general3A_332 = tpu.matmul %convert_element_type3A_329, %get3A_21, %dot_general3A_331 {dimension_numbers = #tpu.dot_dimension_numbers<[1], [0], [0], [1], [0, 0, 1, 1], [], []>, transpose_lhs_hint = false} : vector<128x512xf32>, vector<512x128xf32>, vector<128x128xf32> -> vector<128x128xf32>
    %dot_general3A_333 = arith.constant dense<0.000000e+00> : vector<128x128xf32>
    %dot_general3A_334 = tpu.matmul %sub3A_330, %get3A_21, %dot_general3A_333 {dimension_numbers = #tpu.dot_dimension_numbers<[1], [0], [0], [1], [0, 0, 1, 1], [], []>, transpose_lhs_hint = false} : vector<128x512xf32>, vector<512x128xf32>, vector<128x128xf32> -> vector<128x128xf32>
    %add3A_335 = arith.addf %dot_general3A_332, %dot_general3A_334 : vector<128x128xf32>
    %get3A_336 = arith.constant 0 : index
    %get3A_337 = arith.constant 1408 : index
    %get3A_338 = vector.load %arg2[%get3A_336, %get3A_337] : memref<128x2048xf32, #tpu.memory_space<vmem>>, vector<128x128xf32>
    %get3A_339 = arith.constant 0 : index
    %get3A_340 = arith.constant 1408 : index
    %get3A_341 = vector.load %arg5[%get3A_339, %get3A_340] : memref<128x2048xf32, #tpu.memory_space<vmem>>, vector<128x128xf32>
    %sub3A_342 = arith.subf %add3A_335, %get3A_338 : vector<128x128xf32>
    %mul3A_343 = arith.mulf %get3A_341, %sub3A_342 : vector<128x128xf32>
    %mul3A_344 = arith.mulf %mul3A_343, %sub3A_342 : vector<128x128xf32>
    %add3A_345 = arith.addf %add3A_291, %mul3A_344 : vector<128x128xf32>
    %get3A_346 = arith.constant 0 : index
    %get3A_347 = arith.constant 6144 : index
    %get3A_348 = vector.load %arg1[%get3A_346, %get3A_347] : memref<128x8192xf32, #tpu.memory_space<vmem>>, vector<128x512xf32>
    %roll3A_349 = arith.constant 511 : i32
    %roll3A_350 = tpu.dynamic_rotate %get3A_348 by %roll3A_349 dim 1 : vector<128x512xf32>, i32 -> vector<128x512xf32>
    %max3A_351 = arith.maximumf %get3A_348, %roll3A_350 : vector<128x512xf32>
    %roll3A_352 = arith.constant 510 : i32
    %roll3A_353 = tpu.dynamic_rotate %max3A_351 by %roll3A_352 dim 1 : vector<128x512xf32>, i32 -> vector<128x512xf32>
    %max3A_354 = arith.maximumf %max3A_351, %roll3A_353 : vector<128x512xf32>
    %convert_element_type3A_355 = arith.truncf %max3A_354 : vector<128x512xf32> to vector<128x512xbf16>
    %convert_element_type3A_356 = arith.extf %convert_element_type3A_355 : vector<128x512xbf16> to vector<128x512xf32>
    %sub3A_357 = arith.subf %max3A_354, %convert_element_type3A_356 : vector<128x512xf32>
    %dot_general3A_358 = arith.constant dense<0.000000e+00> : vector<128x128xf32>
    %dot_general3A_359 = tpu.matmul %convert_element_type3A_356, %get3A_21, %dot_general3A_358 {dimension_numbers = #tpu.dot_dimension_numbers<[1], [0], [0], [1], [0, 0, 1, 1], [], []>, transpose_lhs_hint = false} : vector<128x512xf32>, vector<512x128xf32>, vector<128x128xf32> -> vector<128x128xf32>
    %dot_general3A_360 = arith.constant dense<0.000000e+00> : vector<128x128xf32>
    %dot_general3A_361 = tpu.matmul %sub3A_357, %get3A_21, %dot_general3A_360 {dimension_numbers = #tpu.dot_dimension_numbers<[1], [0], [0], [1], [0, 0, 1, 1], [], []>, transpose_lhs_hint = false} : vector<128x512xf32>, vector<512x128xf32>, vector<128x128xf32> -> vector<128x128xf32>
    %add3A_362 = arith.addf %dot_general3A_359, %dot_general3A_361 : vector<128x128xf32>
    %get3A_363 = arith.constant 0 : index
    %get3A_364 = arith.constant 1536 : index
    %get3A_365 = vector.load %arg2[%get3A_363, %get3A_364] : memref<128x2048xf32, #tpu.memory_space<vmem>>, vector<128x128xf32>
    %get3A_366 = arith.constant 0 : index
    %get3A_367 = arith.constant 1536 : index
    %get3A_368 = vector.load %arg5[%get3A_366, %get3A_367] : memref<128x2048xf32, #tpu.memory_space<vmem>>, vector<128x128xf32>
    %sub3A_369 = arith.subf %add3A_362, %get3A_365 : vector<128x128xf32>
    %mul3A_370 = arith.mulf %get3A_368, %sub3A_369 : vector<128x128xf32>
    %mul3A_371 = arith.mulf %mul3A_370, %sub3A_369 : vector<128x128xf32>
    %add3A_372 = arith.addf %add3A_318, %mul3A_371 : vector<128x128xf32>
    %get3A_373 = arith.constant 0 : index
    %get3A_374 = arith.constant 6656 : index
    %get3A_375 = vector.load %arg1[%get3A_373, %get3A_374] : memref<128x8192xf32, #tpu.memory_space<vmem>>, vector<128x512xf32>
    %roll3A_376 = arith.constant 511 : i32
    %roll3A_377 = tpu.dynamic_rotate %get3A_375 by %roll3A_376 dim 1 : vector<128x512xf32>, i32 -> vector<128x512xf32>
    %max3A_378 = arith.maximumf %get3A_375, %roll3A_377 : vector<128x512xf32>
    %roll3A_379 = arith.constant 510 : i32
    %roll3A_380 = tpu.dynamic_rotate %max3A_378 by %roll3A_379 dim 1 : vector<128x512xf32>, i32 -> vector<128x512xf32>
    %max3A_381 = arith.maximumf %max3A_378, %roll3A_380 : vector<128x512xf32>
    %convert_element_type3A_382 = arith.truncf %max3A_381 : vector<128x512xf32> to vector<128x512xbf16>
    %convert_element_type3A_383 = arith.extf %convert_element_type3A_382 : vector<128x512xbf16> to vector<128x512xf32>
    %sub3A_384 = arith.subf %max3A_381, %convert_element_type3A_383 : vector<128x512xf32>
    %dot_general3A_385 = arith.constant dense<0.000000e+00> : vector<128x128xf32>
    %dot_general3A_386 = tpu.matmul %convert_element_type3A_383, %get3A_21, %dot_general3A_385 {dimension_numbers = #tpu.dot_dimension_numbers<[1], [0], [0], [1], [0, 0, 1, 1], [], []>, transpose_lhs_hint = false} : vector<128x512xf32>, vector<512x128xf32>, vector<128x128xf32> -> vector<128x128xf32>
    %dot_general3A_387 = arith.constant dense<0.000000e+00> : vector<128x128xf32>
    %dot_general3A_388 = tpu.matmul %sub3A_384, %get3A_21, %dot_general3A_387 {dimension_numbers = #tpu.dot_dimension_numbers<[1], [0], [0], [1], [0, 0, 1, 1], [], []>, transpose_lhs_hint = false} : vector<128x512xf32>, vector<512x128xf32>, vector<128x128xf32> -> vector<128x128xf32>
    %add3A_389 = arith.addf %dot_general3A_386, %dot_general3A_388 : vector<128x128xf32>
    %get3A_390 = arith.constant 0 : index
    %get3A_391 = arith.constant 1664 : index
    %get3A_392 = vector.load %arg2[%get3A_390, %get3A_391] : memref<128x2048xf32, #tpu.memory_space<vmem>>, vector<128x128xf32>
    %get3A_393 = arith.constant 0 : index
    %get3A_394 = arith.constant 1664 : index
    %get3A_395 = vector.load %arg5[%get3A_393, %get3A_394] : memref<128x2048xf32, #tpu.memory_space<vmem>>, vector<128x128xf32>
    %sub3A_396 = arith.subf %add3A_389, %get3A_392 : vector<128x128xf32>
    %mul3A_397 = arith.mulf %get3A_395, %sub3A_396 : vector<128x128xf32>
    %mul3A_398 = arith.mulf %mul3A_397, %sub3A_396 : vector<128x128xf32>
    %add3A_399 = arith.addf %add3A_345, %mul3A_398 : vector<128x128xf32>
    %get3A_400 = arith.constant 0 : index
    %get3A_401 = arith.constant 7168 : index
    %get3A_402 = vector.load %arg1[%get3A_400, %get3A_401] : memref<128x8192xf32, #tpu.memory_space<vmem>>, vector<128x512xf32>
    %roll3A_403 = arith.constant 511 : i32
    %roll3A_404 = tpu.dynamic_rotate %get3A_402 by %roll3A_403 dim 1 : vector<128x512xf32>, i32 -> vector<128x512xf32>
    %max3A_405 = arith.maximumf %get3A_402, %roll3A_404 : vector<128x512xf32>
    %roll3A_406 = arith.constant 510 : i32
    %roll3A_407 = tpu.dynamic_rotate %max3A_405 by %roll3A_406 dim 1 : vector<128x512xf32>, i32 -> vector<128x512xf32>
    %max3A_408 = arith.maximumf %max3A_405, %roll3A_407 : vector<128x512xf32>
    %convert_element_type3A_409 = arith.truncf %max3A_408 : vector<128x512xf32> to vector<128x512xbf16>
    %convert_element_type3A_410 = arith.extf %convert_element_type3A_409 : vector<128x512xbf16> to vector<128x512xf32>
    %sub3A_411 = arith.subf %max3A_408, %convert_element_type3A_410 : vector<128x512xf32>
    %dot_general3A_412 = arith.constant dense<0.000000e+00> : vector<128x128xf32>
    %dot_general3A_413 = tpu.matmul %convert_element_type3A_410, %get3A_21, %dot_general3A_412 {dimension_numbers = #tpu.dot_dimension_numbers<[1], [0], [0], [1], [0, 0, 1, 1], [], []>, transpose_lhs_hint = false} : vector<128x512xf32>, vector<512x128xf32>, vector<128x128xf32> -> vector<128x128xf32>
    %dot_general3A_414 = arith.constant dense<0.000000e+00> : vector<128x128xf32>
    %dot_general3A_415 = tpu.matmul %sub3A_411, %get3A_21, %dot_general3A_414 {dimension_numbers = #tpu.dot_dimension_numbers<[1], [0], [0], [1], [0, 0, 1, 1], [], []>, transpose_lhs_hint = false} : vector<128x512xf32>, vector<512x128xf32>, vector<128x128xf32> -> vector<128x128xf32>
    %add3A_416 = arith.addf %dot_general3A_413, %dot_general3A_415 : vector<128x128xf32>
    %get3A_417 = arith.constant 0 : index
    %get3A_418 = arith.constant 1792 : index
    %get3A_419 = vector.load %arg2[%get3A_417, %get3A_418] : memref<128x2048xf32, #tpu.memory_space<vmem>>, vector<128x128xf32>
    %get3A_420 = arith.constant 0 : index
    %get3A_421 = arith.constant 1792 : index
    %get3A_422 = vector.load %arg5[%get3A_420, %get3A_421] : memref<128x2048xf32, #tpu.memory_space<vmem>>, vector<128x128xf32>
    %sub3A_423 = arith.subf %add3A_416, %get3A_419 : vector<128x128xf32>
    %mul3A_424 = arith.mulf %get3A_422, %sub3A_423 : vector<128x128xf32>
    %mul3A_425 = arith.mulf %mul3A_424, %sub3A_423 : vector<128x128xf32>
    %add3A_426 = arith.addf %add3A_372, %mul3A_425 : vector<128x128xf32>
    %get3A_427 = arith.constant 0 : index
    %get3A_428 = arith.constant 7680 : index
    %get3A_429 = vector.load %arg1[%get3A_427, %get3A_428] : memref<128x8192xf32, #tpu.memory_space<vmem>>, vector<128x512xf32>
    %roll3A_430 = arith.constant 511 : i32
    %roll3A_431 = tpu.dynamic_rotate %get3A_429 by %roll3A_430 dim 1 : vector<128x512xf32>, i32 -> vector<128x512xf32>
    %max3A_432 = arith.maximumf %get3A_429, %roll3A_431 : vector<128x512xf32>
    %roll3A_433 = arith.constant 510 : i32
    %roll3A_434 = tpu.dynamic_rotate %max3A_432 by %roll3A_433 dim 1 : vector<128x512xf32>, i32 -> vector<128x512xf32>
    %max3A_435 = arith.maximumf %max3A_432, %roll3A_434 : vector<128x512xf32>
    %convert_element_type3A_436 = arith.truncf %max3A_435 : vector<128x512xf32> to vector<128x512xbf16>
    %convert_element_type3A_437 = arith.extf %convert_element_type3A_436 : vector<128x512xbf16> to vector<128x512xf32>
    %sub3A_438 = arith.subf %max3A_435, %convert_element_type3A_437 : vector<128x512xf32>
    %dot_general3A_439 = arith.constant dense<0.000000e+00> : vector<128x128xf32>
    %dot_general3A_440 = tpu.matmul %convert_element_type3A_437, %get3A_21, %dot_general3A_439 {dimension_numbers = #tpu.dot_dimension_numbers<[1], [0], [0], [1], [0, 0, 1, 1], [], []>, transpose_lhs_hint = false} : vector<128x512xf32>, vector<512x128xf32>, vector<128x128xf32> -> vector<128x128xf32>
    %dot_general3A_441 = arith.constant dense<0.000000e+00> : vector<128x128xf32>
    %dot_general3A_442 = tpu.matmul %sub3A_438, %get3A_21, %dot_general3A_441 {dimension_numbers = #tpu.dot_dimension_numbers<[1], [0], [0], [1], [0, 0, 1, 1], [], []>, transpose_lhs_hint = false} : vector<128x512xf32>, vector<512x128xf32>, vector<128x128xf32> -> vector<128x128xf32>
    %add3A_443 = arith.addf %dot_general3A_440, %dot_general3A_442 : vector<128x128xf32>
    %get3A_444 = arith.constant 0 : index
    %get3A_445 = arith.constant 1920 : index
    %get3A_446 = vector.load %arg2[%get3A_444, %get3A_445] : memref<128x2048xf32, #tpu.memory_space<vmem>>, vector<128x128xf32>
    %get3A_447 = arith.constant 0 : index
    %get3A_448 = arith.constant 1920 : index
    %get3A_449 = vector.load %arg5[%get3A_447, %get3A_448] : memref<128x2048xf32, #tpu.memory_space<vmem>>, vector<128x128xf32>
    %sub3A_450 = arith.subf %add3A_443, %get3A_446 : vector<128x128xf32>
    %mul3A_451 = arith.mulf %get3A_449, %sub3A_450 : vector<128x128xf32>
    %mul3A_452 = arith.mulf %mul3A_451, %sub3A_450 : vector<128x128xf32>
    %add3A_453 = arith.addf %add3A_399, %mul3A_452 : vector<128x128xf32>
    %add3A_454 = arith.addf %add3A_426, %add3A_453 : vector<128x128xf32>
    %reduce_sum3A_455 = arith.constant dense<0.000000e+00> : vector<128xf32>
    %reduce_sum3A_456 = vector.multi_reduction <add>, %add3A_454, %reduce_sum3A_455 [1] : vector<128x128xf32> to vector<128xf32>
    %max3A_457 = arith.constant 1.000000e+00 : f32
    %max3A_458 = vector.broadcast %max3A_457 : f32 to vector<128xf32>
    %max3A_459 = arith.maximumf %reduce_sum3A_18, %max3A_458 : vector<128xf32>
    %div3A = arith.divf %reduce_sum3A_456, %max3A_459 : vector<128xf32>
    %gt3A_460 = arith.constant 0.000000e+00 : f32
    %gt3A_461 = vector.broadcast %gt3A_460 : f32 to vector<128xf32>
    %gt3A_462 = arith.cmpf ogt, %reduce_sum3A_18, %gt3A_461 : vector<128xf32>
    %convert_element_type3A_463 = arith.extui %gt3A_462 : vector<128xi1> to vector<128xi32>
    %convert_element_type3A_464 = arith.sitofp %convert_element_type3A_463 : vector<128xi32> to vector<128xf32>
    %eq3A = arith.constant 0 : i32
    %eq3A_465 = arith.cmpi eq, %arg0, %eq3A : i32
    %convert_element_type3A_466 = arith.extui %eq3A_465 : i1 to i32
    %cond3A = arith.constant 0 : i32
    %cond3A_467 = arith.cmpi ne, %convert_element_type3A_466, %cond3A : i32
    scf.if %cond3A_467 {
      %broadcast_in_dim3A_497 = arith.constant 0.000000e+00 : f32
      %broadcast_in_dim3A_498 = vector.broadcast %broadcast_in_dim3A_497 : f32 to vector<1x128xf32>
      %swap3A_499 = arith.constant 0 : index
      %swap3A_500 = arith.constant 0 : index
      %swap3A_501 = vector.load %arg4[%swap3A_499, %swap3A_500] : memref<1x128xf32, #tpu.memory_space<vmem>>, vector<1x128xf32>
      tpu.vector_store %arg4[%swap3A_499, %swap3A_500], %broadcast_in_dim3A_498 {strides = array<i32>} : memref<1x128xf32, #tpu.memory_space<vmem>>, vector<1x128xf32>,
    } else {
    }
    %iota3A_468 = tpu.iota {dimensions = array<i32: 1>} : vector<1x128xi32>
    %mul3A_469 = arith.mulf %div3A, %convert_element_type3A_464 : vector<128xf32>
    %reduce_sum3A_470 = vector.shape_cast %mul3A_469 : vector<128xf32> to vector<1x128xf32>
    %reduce_sum3A_471 = arith.constant dense<0.000000e+00> : vector<1xf32>
    %reduce_sum3A_472 = vector.multi_reduction <add>, %reduce_sum3A_470, %reduce_sum3A_471 [1] : vector<1x128xf32> to vector<1xf32>
    %reduce_sum3A_473 = vector.shape_cast %reduce_sum3A_472 : vector<1xf32> to vector<1x1xf32>
    %reduce_sum3A_474 = vector.extract %reduce_sum3A_473[0, 0] : f32 from vector<1x1xf32>
    %reduce_sum3A_475 = vector.shape_cast %convert_element_type3A_464 : vector<128xf32> to vector<1x128xf32>
    %reduce_sum3A_476 = arith.constant dense<0.000000e+00> : vector<1xf32>
    %reduce_sum3A_477 = vector.multi_reduction <add>, %reduce_sum3A_475, %reduce_sum3A_476 [1] : vector<1x128xf32> to vector<1xf32>
    %reduce_sum3A_478 = vector.shape_cast %reduce_sum3A_477 : vector<1xf32> to vector<1x1xf32>
    %reduce_sum3A_479 = vector.extract %reduce_sum3A_478[0, 0] : f32 from vector<1x1xf32>
    %eq3A_480 = arith.constant 0 : i32
    %eq3A_481 = vector.broadcast %eq3A_480 : i32 to vector<1x128xi32>
    %eq3A_482 = arith.cmpi eq, %iota3A_468, %eq3A_481 : vector<1x128xi32>
    %eq3A_483 = arith.constant 1 : i32
    %eq3A_484 = vector.broadcast %eq3A_483 : i32 to vector<1x128xi32>
    %eq3A_485 = arith.cmpi eq, %iota3A_468, %eq3A_484 : vector<1x128xi32>
    %jit3A = arith.constant 0.000000e+00 : f32
    %broadcast_in_dim3A_486 = vector.broadcast %reduce_sum3A_479 : f32 to vector<1x128xf32>
    %broadcast_in_dim3A_487 = vector.broadcast %jit3A : f32 to vector<1x128xf32>
    %select_n3A = arith.select %eq3A_485, %broadcast_in_dim3A_486, %broadcast_in_dim3A_487 : vector<1x128xi1>, vector<1x128xf32>
    %broadcast_in_dim3A_488 = vector.broadcast %reduce_sum3A_474 : f32 to vector<1x128xf32>
    %select_n3A_489 = arith.select %eq3A_482, %broadcast_in_dim3A_488, %select_n3A : vector<1x128xi1>, vector<1x128xf32>
    %get3A_490 = arith.constant 0 : index
    %get3A_491 = arith.constant 0 : index
    %get3A_492 = vector.load %arg4[%get3A_490, %get3A_491] : memref<1x128xf32, #tpu.memory_space<vmem>>, vector<1x128xf32>
    %add3A_493 = arith.addf %get3A_492, %select_n3A_489 : vector<1x128xf32>
    %swap3A_494 = arith.constant 0 : index
    %swap3A_495 = arith.constant 0 : index
    %swap3A_496 = vector.load %arg4[%swap3A_494, %swap3A_495] : memref<1x128xf32, #tpu.memory_space<vmem>>, vector<1x128xf32>
    tpu.vector_store %arg4[%swap3A_494, %swap3A_495], %add3A_493 {strides = array<i32>} : memref<1x128xf32, #tpu.memory_space<vmem>>, vector<1x128xf32>,
    return
  }
  func.func @transform_0(%arg0: i32) -> (i32, i32) {
    %add3A = arith.constant 4 : i32
    %add3A_0 = arith.addi %add3A, %arg0 : i32
    %c0_i32 = arith.constant 0 : i32
    %c0_i32_1 = arith.constant 0 : i32
    return %add3A_0, %c0_i32 : i32, i32
  }
  func.func @transform_1(%arg0: i32) -> (i32, i32) {
    %add3A = arith.constant 4 : i32
    %add3A_0 = arith.addi %add3A, %arg0 : i32
    %c0_i32 = arith.constant 0 : i32
    %c0_i32_1 = arith.constant 0 : i32
    return %add3A_0, %c0_i32 : i32, i32
  }
  func.func @transform_2(%arg0: i32) -> (i32, i32) {
    %c0_i32 = arith.constant 0 : i32
    %c0_i32_0 = arith.constant 0 : i32
    %c0_i32_1 = arith.constant 0 : i32
    return %c0_i32, %c0_i32_0 : i32, i32
  }
  func.func @transform_3(%arg0: i32) -> (i32, i32) {
    %c0_i32 = arith.constant 0 : i32
    %c0_i32_0 = arith.constant 0 : i32
    %c0_i32_1 = arith.constant 0 : i32
    return %c0_i32, %c0_i32_0 : i32, i32
  }
}

</mosaic_0001>

<sc_bundles>
// kernel: kernel.4.cloned.1.call-start
scs
__scs_entry_jumppad:
0x0: {  	(pc) =	sbr.rel $0x88, $3  }
0x1: {  	(tag) =	ssettag $0x0;
	lr =	simm.s32 $0x1  }
0x2: {  	[smem:$0x3F9F] =	sst lr;
	_ =	strace $0xD0000000  }
0x3: {  	_ = 	snop  }
0x4: {  	_ = 	snop  }
0x5: {  	_ = 	snop  }
0x6: {  	_ = 	snop  }
0x7: {  	_ = 	snop  }
__scs_overlays_trampoline_lowered:
0x8: {  	[smem:$0x3FAE] =	sst s0  }
0x9: {  	[smem:$0x3FAF] =	sst s1  }
0xa: {  	[smem:$0x3FB0] =	sst s2  }
0xb: {  	[smem:$0x3FB1] =	sst s3  }
0xc: {  	[smem:$0x3FB2] =	sst s4  }
0xd: {  	[smem:$0x3FB3] =	sst s5  }
0xe: {  	[smem:$0x3FB4] =	sst s6  }
0xf: {  	[smem:$0x3FB5] =	sst s7  }
0x10: {  	[smem:$0x3FB6] =	sst s8  }
0x11: {  	[smem:$0x3FB7] =	sst s9;
	s0 =	simm.s32 @!p0 $0x0  }
0x12: {  	s1 =	sld [smem:$0x3F9D];
	s0 =	simm.s32 @p0 $0x1  }
0x13: {  	[smem:$0x3FB8] =	sst s0;
	s0 =	simm.s32 @!p1 $0x0  }
0x14: {  	s2 =	sld [smem:$0x3F9C];
	s0 =	simm.s32 @p1 $0x1  }
0x15: {  	[smem:$0x3FB9] =	sst s0;
	s0 =	simm.s32 @!p2 $0x0  }
0x16: {  	s3 =	sld [smem:$0x3FDB];
	s0 =	simm.s32 @p2 $0x1  }
0x17: {  	s4 =	simm.s32 $0x1BF5;
	[smem:$0x3FBB] =	sst s0  }
0x18: {  	s0 =	sld [smem:$0x3F9E];
	_ =	swait.ge [sflag:s4], $0x0  }
0x19: {  	s7 =	sld [smem:$0x3F9F]  }
0x1a: {  	s8 =	sadd.s32 $0xFFFFE003, lr  }
0x1b: {  	s9 =	sadd.s32 $0xFFFFFEF7, lr;
	s5 =	simm.s32 $0xFFFFFFFF;
	p2 =	slt.u32 s8, $0xFFFFF086  }
0x1c: {  	p1 =	slt.u32 s9, $0xF7A;
	s5 =	simm.s32 @!p2 $0x0  }
0x1d: {  	s5 =	simm.s32 @p1 $0x1;
	p0 =	seq.s32 s7, s2  }
0x1e: {  	s7 =	smul.u32 @!p0 $0xF7A, s2;
	p2 =	seq.s32 @!p0 s5, $0x0  }
0x1f: {  	s9 =	smul.u32 $0xF7A, s1;
	s8 =	simm.s32 @!p0 $0x1BF5;
	p2 =	por !p2, p0  }
0x20: {  	[sflag:s8] =	ssyncset.s32 @!p0 $0xFFFFF086;
	s6 =	sadd.s32 @!p0 s3, s7;
	s7 =	simm.s32 @!p0 $0x108  }
0x21: {  	s3 =	sadd.s32 s3, s9;
	s6 =	sadd.s32 @!p0 $0x88, s6;
	s7 =	simm.s32 @p2 $0x1082  }
0x22: {  	[simem:s7], [sflag:s8] =	dma.local @!p0 [hbm:s6], $0xF7A  }
0x23: {  	s9 =	sor.u32 $0xD0000000, s2;
	s6 =	simm.s32 $0x108;
	_ =	swait.ge @!p0 [sflag:s8], $0x0  }
0x24: {  	s3 =	sadd.s32 $0x88, s3;
	s6 =	simm.s32 @!p1 $0x1082;
	[sflag:s4] =	ssyncset.s32 $0xFFFFF086  }
0x25: {  	[simem:s6], [sflag:s4] =	dma.local [hbm:s3], $0xF7A  }
0x26: {  	[smem:$0x3F9F] =	sst s1;
	(tag) =	ssettag s2;
	_ =	strace s9  }
0x27: {  	s1 =	sld [smem:$0x3FAF]  }
0x28: {  	s2 =	sld [smem:$0x3FB0]  }
0x29: {  	s4 =	sld [smem:$0x3FB2]  }
0x2a: {  	p0 =	seq.s32 s5, $0x0;
	s5 =	sld [smem:$0x3FB3]  }
0x2b: {  	s6 =	sld [smem:$0x3FB4]  }
0x2c: {  	s7 =	sld [smem:$0x3FB5]  }
0x2d: {  	s3 =	simm.s32 $0x108;
	s8 =	sld [smem:$0x3FB6]  }
0x2e: {  	s3 =	simm.s32 @!p0 $0x1082;
	s9 =	sld [smem:$0x3FB7]  }
0x2f: {  	lr =	sadd.s32 s0, s3;
	s0 =	sld [smem:$0x3FAE]  }
0x30: {  	s3 =	sld [smem:$0x3FB1]  }
0x31: {  	[smem:$0x3FBA] =	sst s10  }
0x32: {  	s10 =	sld [smem:$0x3FB8];
	_ =	sdelay $0x3  }
0x33: {  	p0 =	seq.s32 s10, $0x1;
	s10 =	sld [smem:$0x3FBA];
	_ =	sdelay $0x3  }
0x34: {  	[smem:$0x3FBA] =	sst s10  }
0x35: {  	s10 =	sld [smem:$0x3FB9];
	_ =	sdelay $0x3  }
0x36: {  	p1 =	seq.s32 s10, $0x1;
	s10 =	sld [smem:$0x3FBA];
	_ =	sdelay $0x3  }
0x37: {  	[smem:$0x3FBA] =	sst s10  }
0x38: {  	s10 =	sld [smem:$0x3FBB]  }
0x39: {  	_ = 	snop;
	(pc) =	sbr.ind lr, $3  }
0x3a: {  	_ = 	snop  }
0x3b: {  	_ = 	snop  }
0x3c: {  	p2 =	seq.s32 s10, $0x1;
	s10 =	sld [smem:$0x3FBA]  }
0x3d: {  	_ =	shalt  }
0x3e: {  	_ =	shalt  }
0x3f: {  	_ =	shalt  }
0x40: {  	_ =	shalt  }
0x41: {  	_ =	shalt  }
0x42: {  	_ =	shalt  }
0x43: {  	_ =	shalt  }
0x44: {  	_ =	shalt  }
0x45: {  	_ =	shalt  }
0x46: {  	_ =	shalt  }
0x47: {  	_ =	shalt  }
0x48: {  	_ =	shalt  }
0x49: {  	_ =	shalt  }
0x4a: {  	_ =	shalt  }
0x4b: {  	_ =	shalt  }
0x4c: {  	_ =	shalt  }
0x4d: {  	_ =	shalt  }
0x4e: {  	_ =	shalt  }
0x4f: {  	_ =	shalt  }
0x50: {  	_ =	shalt  }
0x51: {  	_ =	shalt  }
0x52: {  	_ =	shalt  }
0x53: {  	_ =	shalt  }
0x54: {  	_ =	shalt  }
0x55: {  	_ =	shalt  }
0x56: {  	_ =	shalt  }
0x57: {  	_ =	shalt  }
0x58: {  	_ =	shalt  }
0x59: {  	_ =	shalt  }
0x5a: {  	_ =	shalt  }
0x5b: {  	_ =	shalt  }
0x5c: {  	_ =	shalt  }
0x5d: {  	_ =	shalt  }
0x5e: {  	_ =	shalt  }
0x5f: {  	_ =	shalt  }
0x60: {  	_ =	shalt  }
0x61: {  	_ =	shalt  }
0x62: {  	_ =	shalt  }
0x63: {  	_ =	shalt  }
0x64: {  	_ =	shalt  }
0x65: {  	_ =	shalt  }
0x66: {  	_ =	shalt  }
0x67: {  	_ =	shalt  }
0x68: {  	_ =	shalt  }
0x69: {  	_ =	shalt  }
0x6a: {  	_ =	shalt  }
0x6b: {  	_ =	shalt  }
0x6c: {  	_ =	shalt  }
0x6d: {  	_ =	shalt  }
0x6e: {  	_ =	shalt  }
0x6f: {  	_ =	shalt  }
0x70: {  	_ =	shalt  }
0x71: {  	_ =	shalt  }
0x72: {  	_ =	shalt  }
0x73: {  	_ =	shalt  }
0x74: {  	_ =	shalt  }
0x75: {  	_ =	shalt  }
0x76: {  	_ =	shalt  }
0x77: {  	_ =	shalt  }
0x78: {  	_ =	shalt  }
0x79: {  	_ =	shalt  }
0x7a: {  	_ =	shalt  }
0x7b: {  	_ =	shalt  }
0x7c: {  	_ =	shalt  }
0x7d: {  	_ =	shalt  }
0x7e: {  	_ =	shalt  }
0x7f: {  	_ =	shalt  }
0x80: {  	_ =	shalt  }
0x81: {  	_ =	shalt  }
0x82: {  	_ =	shalt  }
0x83: {  	_ =	shalt  }
0x84: {  	_ =	shalt  }
0x85: {  	_ =	shalt  }
0x86: {  	_ =	shalt  }
0x87: {  	_ =	shalt  }
.Lfunc_end0:
.L_simem_size_0:
called_computation_lowered:
.L_overlay_start_0:
0x88: {  	s2 =	sld [smem:$0x3FD9]  }
0x89: {  	s3 =	sld [smem:$0x3FFE];
	_ =	sdelay $0x1  }
0x8a: {  	s1 =	srdreg.scid  }
0x8b: {  	s0 =	sand.u32 $0x1, s1  }
0x8c: {  	s17 =	sshll.u32 s0, $0xA;
	s2 =	sadd.s32 s3, s2  }
0x8d: {  	s2 =	sadd.s32 s2, s17  }
0x8e: {  	[smem:$0x3FC6] =	sst s2  }
0x8f: {  	_ = 	snop  }
0x90: {  	s2 =	sld [smem:$0x3FC9]  }
0x91: {  	s18 =	sld [smem:$0x3FC8];
	(tm) =	ssettm $0x1  }
0x92: {  	s4 =	sld [smem:$0x3FFB];
	_ =	sdelay $0x3  }
0x93: {  	_ =	strace s4  }
0x94: {  	s4 =	sld [smem:$0x3FFC];
	_ =	sdelay $0x3  }
0x95: {  	_ =	strace s4  }
0x96: {  	s4 =	sld [smem:$0x3FFD];
	_ =	sdelay $0x3  }
0x97: {  	_ =	strace s4  }
0x98: {  	_ =	strace $0x8FFFFFFF  }
0x99: {  	s19 =	sld [smem:$0x3FDB];
	_ =	sdelay $0x1  }
0x9a: {  	s5 =	simm.s32 $_scs_section_size  }
0x9b: {  	s6 =	simm.s32 $_size__tile_overlayer_lowered;
	s7 =	simm.s32 $_tile_overlayer_lowered  }
0x9c: {  	s22 =	simm.s32 $0x1BFF;
	s21 =	sshll.u32 s7, $0x1;
	s4 =	sadd.s32 s5, s19  }
0x9d: {  	s8 =	simm.s32 $0x0;
	s20 =	sshll.u32 s6, $0x1;
	s6 =	sadd.s32 s21, s4  }
0x9e: {  	[timem:s8], [sflag:s22] =	dma.local [hbm:s6], s20  }
0x9f: {  	_ =	swait.ge [sflag:s22], s20  }
0xa0: {  	s5 =	ssub.s32 $0x0, s20;
	[sflag:s22] =	ssyncset.done $0x0  }
0xa1: {  	[sflag:s22] =	ssyncadd.s32 s5;
	_ =	sdelay $0x1  }
0xa2: {  	s23 =	simm.s32 $0x1B8B  }
0xa3: {  	_ =	swait.ge [sflag:s23], $0x1  }
0xa4: {  	[sflag:s23] =	ssyncset.done $0x0  }
0xa5: {  	s25 =	simm.s32 $0x1B8E;
	s24 =	sld [smem:$0x3FFE];
	[sflag:s23] =	ssyncadd.s32 $0xFFFFFFFF  }
0xa6: {  	s26 =	simm.s32 $execute0_lowered;
	[smem:$0x3FD2] =	sst s25  }
0xa7: {  	s6 =	sshll.u32 s26, $0x1;
	_ =	strace $0x80000046;
	[dreg:$0x1] =	wrdreg $0xFFFFFFFF  }
0xa8: {  	s28 =	simm.s32 $_size_execute0_lowered;
	s4 =	sadd.s32 s4, s6;
	[dreg:$0x0] =	wrdreg $0x0  }
0xa9: {  	s6 =	sshll.u32 s28, $0x1;
	[dreg:$0x2] =	wrdreg s4  }
0xaa: {  	[dreg:$0x3] =	wrdreg s6  }
0xab: {  	[dreg:$0x4] =	wrdreg $0xC0  }
0xac: {  	_ =	task [dreg:s8], $0x5FFFF  }
0xad: {  	[dreg:$0x1] =	wrdreg $0xFFFFFFFF  }
0xae: {  	[dreg:$0x0] =	wrdreg $0x60  }
0xaf: {  	[dreg:$0x2] =	wrdreg s2  }
0xb0: {  	[dreg:$0x3] =	wrdreg s18  }
0xb1: {  	[dreg:$0x4] =	wrdreg s24  }
0xb2: {  	[dreg:$0x5] =	wrdreg $0x9  }
0xb3: {  	_ =	task.clear_ibuf [dreg:s8], $0x6FFFF;
	_ =	strace $0x90000046  }
0xb4: {  	s29 =	simm.s32 $0x9;
	_ =	strace $0x80000048  }
0xb5: {  	_ =	swait.ge [sflag:s29], $0x1  }
0xb6: {  	[sflag:s29] =	ssyncadd.s32 $0xFFFFFFFF  }
0xb7: {  	_ =	strace $0x90000048  }
0xb8: {  	_ =	sfence  }
0xb9: {  	s30 =	sld [smem:$0x0];
	_ =	sdelay $0x2  }
0xba: {  	s31 =	sshll.u32 s1, $0xD;
	s1 =	sshrl.u32 s1, $0x2  }
0xbb: {  	s3 =	sand.u32 $0x4000, s31;
	s1 =	sadd.s32 s1, s30  }
0xbc: {  	s0 =	sor.u32 s3, s0;
	s1 =	sshll.u32 s1, $0x11  }
0xbd: {  	s0 =	sor.u32 s1, s0  }
0xbe: {  	s0 =	sadd.s32 $0x8F2B, s0  }
0xbf: {  	[sflag:s0] =	ssyncadd.remote.s32 $0x1  }
0xc0: {  	_ =	sfence.sel $0xFFFF  }
0xc1: {  	[dreg:$0x0] =	wrdreg $0xFFFFFFFF;
	(pc) =	sbr.abs _section_cstart, $3  }
0xc2: {  	[dreg:$0x1] =	wrdreg $0xFFFFFFFF  }
0xc3: {  	_ =	task.clear_ibuf [dreg:s8], $0x2FFFF;
	_ =	strace $0x9FFFFFFF  }
0xc4: {  	(tm) =	ssettm $0x7FFFFFFF  }
0xc5: {  	_ =	shalt  }
tec
execute0_lowered:
.L_overlay_start_1:
0x0: {  	(tag) =	ssettag $0x1  }
0x1: {  	v0 =	vimm.s32 $0x1FF8;
	vm13 =	vcmask $0x300;
	vm0 =	vcmask $0x704  }
0x2: {  	vm12 =	vcmask $0xB08;
	vm11 =	vcmask $0xF0C;
	vm10 =	vcmask $0x1310  }
0x3: {  	vm8 =	vcmask $0x1714;
	v4 =	vlaneseq.u32;
	vm9 =	vcmask $0x1B18  }
0x4: {  	vm7 =	vcmask $0x1F1C;
	vm6 =	vcmask $0x2320;
	vm5 =	vcmask $0x2724  }
0x5: {  	vm1 =	vmmov $0x3fff;
	vm4 =	vcmask $0x2B28;
	vm2 =	vcmask $0x2F2C  }
0x6: {  	v3 =	vimm.s32 $0x1FF9;
	vm3 =	vcmask $0x3330;
	v5 =	vimm.s32 $0x1FFA  }
0x7: {  	v6 =	vimm.s32 $0x1FFB;
	v0 =	vsel vm13, $0x1FC4, v0;
	v1 =	vmul.u32 $0x4, v4  }
0x8: {  	v3 =	vsel vm13, $0x1FC5, v3;
	v5 =	vsel vm13, $0x1FC6, v5;
	v6 =	vsel vm13, $0x1FC7, v6  }
0x9: {  	v4 =	vmul.u32 $0x10, v4;
	v0 =	vsel vm0, $0x1FC8, v0;
	v3 =	vsel vm0, $0x1FC9, v3  }
0xa: {  	v5 =	vsel vm0, $0x1FCA, v5;
	v6 =	vsel vm0, $0x1FCB, v6;
	v0 =	vsel vm12, $0x1FCC, v0  }
0xb: {  	v1 =	vadd.s32 $0x4, v1;
	v3 =	vsel vm12, $0x1FCD, v3;
	v5 =	vsel vm12, $0x1FCE, v5  }
0xc: {  	v6 =	vsel vm12, $0x1FCF, v6;
	v8 =	vor.u32 $0x100, v4;
	v15 =	vor.u32 $0x4, v4  }
0xd: {  	v16 =	vor.u32 $0x104, v4;
	v17 =	vor.u32 $0x5, v4;
	v18 =	vor.u32 $0x105, v4  }
0xe: {  	v19 =	vor.u32 $0x6, v4;
	v20 =	vor.u32 $0x106, v4;
	v21 =	vor.u32 $0x7, v4  }
0xf: {  	v22 =	vor.u32 $0x107, v4;
	v23 =	vor.u32 $0x8, v4;
	v24 =	vor.u32 $0x108, v4  }
0x10: {  	v25 =	vor.u32 $0x9, v4;
	v26 =	vor.u32 $0x109, v4;
	v27 =	vor.u32 $0xA, v4  }
0x11: {  	v28 =	vor.u32 $0x10A, v4;
	v29 =	vor.u32 $0xB, v4;
	v30 =	vor.u32 $0x10B, v4  }
0x12: {  	v31 =	vor.u32 $0xC, v4;
	v32 =	vor.u32 $0x10C, v4;
	v33 =	vor.u32 $0xD, v4  }
0x13: {  	s0 =	rddreg [dreg:$0x0];
	v34 =	vor.u32 $0x10D, v4;
	v0 =	vsel vm11, $0x1FD0, v0;
	v3 =	vsel vm11, $0x1FD1, v3  }
0x14: {  	s1 =	rddreg [dreg:$0x1];
	s4 =	simm.s32 $0x0;
	v5 =	vsel vm11, $0x1FD2, v5;
	v6 =	vsel vm11, $0x1FD3, v6;
	[tilespmem:$0x1FF90] =	vst v8;
	v8 =	vor.u32 $0x1, v4  }
0x15: {  	[smem:$0x7FF] =	sst s4;
	v0 =	vsel vm10, $0x1FD4, v0;
	v3 =	vsel vm10, $0x1FD5, v3;
	v5 =	vsel vm10, $0x1FD6, v5  }
0x16: {  	s6 =	rddreg [dreg:$0x2];
	v6 =	vsel vm10, $0x1FD7, v6;
	_ =	strace $0x80000047;
	[tilespmem:$0x1FFA0] =	vst v8;
	v8 =	vor.u32 $0x101, v4;
	v0 =	vsel vm8, $0x1FD8, v0  }
0x17: {  	v3 =	vsel vm8, $0x1FD9, v3;
	v5 =	vsel vm8, $0x1FDA, v5;
	v6 =	vsel vm8, $0x1FDB, v6  }
0x18: {  	[tilespmem:$0x1FFB0] =	vst v8;
	v8 =	vor.u32 $0x2, v4;
	v2 =	vsel vm9, $0x1FDC, v0;
	v0 =	vimm.f32 $0.0e+00  }
0x19: {  	s3 =	srdreg.scid;
	s2 =	stileid.u32;
	v3 =	vsel vm9, $0x1FDD, v3;
	v5 =	vsel vm9, $0x1FDE, v5;
	v6 =	vsel vm9, $0x1FDF, v6  }
0x1a: {  	s13 =	simm.s32 $0x80;
	s14 =	simm.s32 $0x400;
	s15 =	simm.s32 $0x4000;
	[tilespmem:$0x1FFC0] =	vst v8;
	v8 =	vor.u32 $0x102, v4;
	v2 =	vsel vm7, $0x1FE0, v2;
	v3 =	vsel vm7, $0x1FE1, v3  }
0x1b: {  	s16 =	simm.s32 $0x2000;
	s17 =	simm.s32 $0x4880;
	s18 =	simm.s32 $0x1;
	v5 =	vsel vm7, $0x1FE2, v5;
	v6 =	vsel vm7, $0x1FE3, v6;
	[tilespmem:$0x1FFD0] =	vst v8;
	v8 =	vor.u32 $0x3, v4  }
0x1c: {  	s19 =	simm.s32 $0x2;
	s20 =	simm.s32 $0x3;
	s21 =	simm.s32 $0x4;
	v2 =	vsel vm6, $0x1FE4, v2;
	v3 =	vsel vm6, $0x1FE5, v3;
	v5 =	vsel vm6, $0x1FE6, v5  }
0x1d: {  	s22 =	simm.s32 $0x5100;
	s7 =	sand.u32 $0x1, s3;
	s5 =	sshll.u32 s2, $0x1;
	v6 =	vsel vm6, $0x1FE7, v6;
	[tilespmem:$0x1FFE0] =	vst v8;
	v8 =	vor.u32 $0x103, v4;
	v2 =	vsel vm5, $0x1FE8, v2  }
0x1e: {  	s23 =	simm.s32 $0x5300;
	s24 =	simm.s32 $0x5;
	s8 =	sor.u32 s7, s5;
	v3 =	vsel vm5, $0x1FE9, v3;
	v5 =	vsel vm5, $0x1FEA, v5;
	v6 =	vsel vm5, $0x1FEB, v6  }
0x1f: {  	s25 =	simm.s32 $0x0;
	s31 =	ssub.s32 $0x2, s7;
	s5 =	sshll.u32 s8, $0x4;
	v2 =	vsel vm4, $0x1FEC, v2;
	v3 =	vsel vm4, $0x1FED, v3;
	v5 =	vsel vm4, $0x1FEE, v5  }
0x20: {  	s7 =	sshrl.u32 s31, $0x1;
	s9 =	sshll.u32 s8, $0xE;
	s10 =	sshll.u32 s8, $0xC;
	v6 =	vsel vm4, $0x1FEF, v6;
	v2 =	vsel vm2, $0x1FF0, v2;
	v3 =	vsel vm2, $0x1FF1, v3  }
0x21: {  	s8 =	sshllo.u32 s8, $0x4;
	s11 =	sadd.s32 s5, s6;
	s6 =	sadd.s32 s0, s9;
	v5 =	vsel vm2, $0x1FF2, v5;
	v6 =	vsel vm2, $0x1FF3, v6;
	vm2 =	vcmask $0x3700  }
0x22: {  	s12 =	ssub.s32 s31, s7;
	s7 =	sadd.s32 s1, s10;
	s9 =	sadd.s32 $0x10, s6;
	v2 =	vsel vm3, $0x1FF4, v2;
	v3 =	vsel vm3, $0x1FF5, v3;
	v5 =	vsel vm3, $0x1FF6, v5  }
0x23: {  	s10 =	sadd.s32 $0x10, s7;
	s11 =	sadd.s32 $0x200, s11;
	s12 =	smax.u32 s12, $0x1;
	[tilespmem:$0x1FFF0] =	vst v8;
	v6 =	vsel vm3, $0x1FF7, v6;
	v7 =	vsel vm2, $0x3F800000, v0;
	vm3 =	vcmask $0x3F04  }
.LBB2_1:
0x24: {  	[tilespmem:$0x4800] =	vst v0  }
0x25: {  	[tilespmem:$0x5080] =	vst v0  }
0x26: {  	[tilespmem:s4], [sflag:$0x1] =	stream.strided.gather [hbm4b:s6+s13], $0x2000, s14, s13, $0x38;
	[tilespmem:$0x5380] =	vst v63  }
0x27: {  	_ = 	snop  }
0x28: {  	[tilespmem:s15], [sflag:$0x2] =	stream.strided.gather [hbm4b:s7+s13], $0x800, s14, s13, $0x38;
	[tilespmem:$0x5380] =	vst v63  }
0x29: {  	_ = 	snop  }
0x2a: {  	[tilespmem:s16], [sflag:$0x3] =	stream.strided.gather [hbm4b:s9+s13], $0x2000, s14, s13, $0x38;
	[tilespmem:$0x5380] =	vst v63  }
0x2b: {  	s26 =	simm.s32 $0x0  }
0x2c: {  	[tilespmem:s17], [sflag:$0x4] =	stream.strided.gather [hbm4b:s10+s13], $0x800, s14, s13, $0x38;
	[tilespmem:$0x5380] =	vst v63  }
.LBB2_2:
0x2d: {  	_ =	swait.ge [sflag:s18], $0x2000  }
0x2e: {  	[sflag:s18] =	ssyncset.done $0x0  }
0x2f: {  	[sflag:s18] =	ssyncadd.s32 $0xFFFFE000  }
0x30: {  	_ =	swait.ge [sflag:s19], $0x800  }
0x31: {  	[sflag:s19] =	ssyncset.done $0x0  }
0x32: {  	s28 =	simm.s32 $0x4012;
	[sflag:s19] =	ssyncadd.s32 $0xFFFFF800  }
0x33: {  	v45 =	vld [tilespmem:s28+$0xFFFFFFFE]  }
0x34: {  	v42 =	vld [tilespmem:s28+$0xFFFFFFFF]  }
0x35: {  	v35 =	vadd.s32 $0x40, v1;
	v49 =	vld [tilespmem:s28+$0x0]  }
0x36: {  	v36 =	vadd.s32 $0x41, v1;
	v46 =	vld [tilespmem:s28+$0xFFFFFFEE]  }
0x37: {  	v37 =	vor.u32 $0x1, v1;
	v52 =	vld [tilespmem:s28+$0xFFFFFFEF]  }
0x38: {  	v38 =	vor.u32 $0x2, v1;
	v48 =	vld [tilespmem:s28+$0xFFFFFFF0]  }
0x39: {  	v39 =	vor.u32 $0x3, v1;
	v53 =	vld.idx.msk [tilespmem:v1+s4+$0x0], $0xffff  }
0x3a: {  	v40 =	vadd.s32 $0x42, v1;
	v47 =	vld.idx.msk [tilespmem:v35+s4+$0x0], $0xffff  }
0x3b: {  	v41 =	vadd.s32 $0x43, v1;
	v50 =	vld.idx.msk [tilespmem:v36+s4+$0x0], $0xffff  }
0x3c: {  	v56 =	vld.idx.msk [tilespmem:v37+s4+$0x0], $0xffff  }
0x3d: {  	v57 =	vld.idx.msk [tilespmem:v38+s4+$0x0], $0xffff  }
0x3e: {  	v58 =	vld.idx.msk [tilespmem:v39+s4+$0x0], $0xffff  }
0x3f: {  	v54 =	vld.idx.msk [tilespmem:v40+s4+$0x0], $0xffff  }
0x40: {  	v43 =	vimm.f32 $0.0e+00;
	v51 =	vadd.s32 $0x80, v1;
	s29 =	simm.s32 $0x4032;
	v44 =	vimm.f32 $0.0e+00;
	s28 =	simm.s32 $0x0;
	v55 =	vld.idx.msk [tilespmem:v41+s4+$0x0], $0xffff  }
.LBB2_3:
0x41: {  	v59 =	vadd.s32 $0x40, v51;
	v60 =	vld [tilespmem:s29+$0xFFFFFFFE];
	v61 =	vadd.s32 $0x41, v51;
	v62 =	vadd.s32 $0x42, v51  }
0x42: {  	v63 =	vor.u32 $0x1, v51;
	v8 =	vor.u32 $0x2, v51;
	v10 =	vadd.s32 $0x43, v51;
	v9 =	vld [tilespmem:s29+$0xFFFFFFFF]  }
0x43: {  	v11 =	vor.u32 $0x3, v51;
	v13 =	vsub.f32 v52, v46;
	v48 =	vsub.f32 v48, v52;
	v12 =	vld [tilespmem:s29+$0x0]  }
0x44: {  	v53 =	vmax.f32 v53, v56;
	v56 =	vmax.f32 v57, v58;
	v57 =	vsub.f32 v42, v45;
	v46 =	vld [tilespmem:s29+$0xFFFFFFEE]  }
0x45: {  	v49 =	vsub.f32 v49, v42;
	v14 =	vmul.f32 v48, v13;
	v53 =	vmax.f32 v53, v56;
	v58 =	vld [tilespmem:s29+$0xFFFFFFEF]  }
0x46: {  	v47 =	vmax.f32 v47, v50;
	v52 =	vsub.f32 v53, v52;
	v50 =	vmax.f32 v54, v55;
	v48 =	vld [tilespmem:s29+$0xFFFFFFF0];
	v45 =	vmovc v60  }
0x47: {  	s28 =	sadd.s32 $0x2, s28;
	vm4 =	vgt.f32 v13, $0.0e+00;
	v13 =	vmul.f32 v49, v57;
	v54 =	vmax.f32 v47, v50;
	v53 =	vld.idx.msk [tilespmem:v51+s4+$0x0], $0xffff  }
0x48: {  	p0 =	slt.u32 s28, $0x7C;
	vm5 =	vlt.f32 v14, $0.0e+00;
	v14 =	vmul.f32 v52, v52;
	v54 =	vsub.f32 v54, v42;
	v42 =	vmovc v9;
	v47 =	vld.idx.msk [tilespmem:v59+s4+$0x0], $0xffff  }
0x49: {  	vm6 =	vgt.f32 v57, $0.0e+00;
	vm4 =	vmand vm4, vm5;
	vm5 =	vlt.f32 v13, $0.0e+00;
	v49 =	vmovc v12;
	v50 =	vld.idx.msk [tilespmem:v61+s4+$0x0], $0xffff  }
.Ltmp0:
0x4a: {  	v12 =	vsel vm4, $0x3F800000, v0;
	v9 =	vnsel vm4, $0x0, v14;
	v13 =	vmul.f32 v54, v54;
	v56 =	vld.idx.msk [tilespmem:v63+s4+$0x0], $0xffff;
	v52 =	vmovc v58;
	(pc) =	sbr.rel @p0 .LBB2_3-.Ltmp0, $4  }
0x4b: {  	vm4 =	vmand vm6, vm5;
	v57 =	vld.idx.msk [tilespmem:v8+s4+$0x0], $0xffff;
	v8 =	vadd.f32 v9, v43;
	v9 =	vadd.f32 v12, v44  }
0x4c: {  	v12 =	vsel vm4, $0x3F800000, v0;
	v58 =	vld.idx.msk [tilespmem:v11+s4+$0x0], $0xffff;
	v11 =	vnsel vm4, $0x0, v13  }
0x4d: {  	v54 =	vld.idx.msk [tilespmem:v62+s4+$0x0], $0xffff;
	v43 =	vadd.f32 v11, v8;
	v44 =	vadd.f32 v12, v9  }
0x4e: {  	s29 =	sadd.s32 $0x20, s29;
	v51 =	vadd.s32 $0x80, v51;
	v55 =	vld.idx.msk [tilespmem:v10+s4+$0x0], $0xffff  }
0x4f: {  	_ = 	snop  }
0x50: {  	v9 =	vld [tilespmem:$0x47E0]  }
0x51: {  	v11 =	vld [tilespmem:$0x47E1]  }
0x52: {  	v13 =	vld [tilespmem:$0x47E2]  }
0x53: {  	v8 =	vor.u32 $0x1, v51;
	v10 =	vor.u32 $0x2, v51;
	v14 =	vld.idx.msk [tilespmem:v51+s4+$0x0], $0xffff  }
0x54: {  	v45 =	vsub.f32 v42, v45;
	v49 =	vsub.f32 v49, v42;
	v47 =	vmax.f32 v47, v50;
	v50 =	vld [tilespmem:$0x47F0]  }
0x55: {  	v12 =	vor.u32 $0x3, v51;
	v46 =	vsub.f32 v52, v46;
	v48 =	vsub.f32 v48, v52;
	v60 =	vld.idx.msk [tilespmem:v2+s4+$0x0], $0xffff  }
0x56: {  	v62 =	vmax.f32 v53, v56;
	v63 =	vmax.f32 v57, v58;
	v57 =	vmul.f32 v49, v45;
	v49 =	vld [tilespmem:$0x47F1]  }
0x57: {  	v48 =	vmul.f32 v48, v46;
	v51 =	vmax.f32 v62, v63;
	v63 =	vld.idx.msk [tilespmem:v3+s4+$0x0], $0xffff  }
0x58: {  	vm4 =	vgt.f32 v46, $0.0e+00;
	v56 =	vmax.f32 v54, v55;
	v8 =	vld.idx.msk [tilespmem:v8+s4+$0x0], $0xffff  }
0x59: {  	v51 =	vsub.f32 v51, v52;
	vm5 =	vlt.f32 v48, $0.0e+00;
	v10 =	vld.idx.msk [tilespmem:v10+s4+$0x0], $0xffff;
	v47 =	vmax.f32 v47, v56  }
0x5a: {  	v12 =	vld.idx.msk [tilespmem:v12+s4+$0x0], $0xffff;
	vm4 =	vmand vm4, vm5;
	v9 =	vsub.f32 v11, v9;
	v13 =	vsub.f32 v13, v11  }
0x5b: {  	v56 =	vld.idx.msk [tilespmem:v5+s4+$0x0], $0xffff;
	v58 =	vmul.f32 v51, v51;
	v59 =	vsub.f32 v47, v42;
	v62 =	vsel vm4, $0x3F800000, v0  }
0x5c: {  	vm5 =	vlt.f32 v57, $0.0e+00;
	v51 =	vld [tilespmem:$0x47F2];
	v44 =	vadd.f32 v62, v44;
	v13 =	vmul.f32 v13, v9  }
0x5d: {  	v57 =	vld.idx.msk [tilespmem:v6+s4+$0x0], $0xffff;
	v61 =	vnsel vm4, $0x0, v58;
	vm4 =	vgt.f32 v45, $0.0e+00;
	v42 =	vmul.f32 v59, v59  }
0x5e: {  	v59 =	vsub.f32 v49, v50;
	v60 =	vmax.f32 v60, v63;
	v43 =	vadd.f32 v61, v43  }
0x5f: {  	vm4 =	vmand vm4, vm5;
	vm5 =	vgt.f32 v9, $0.0e+00;
	v8 =	vmax.f32 v14, v8  }
0x60: {  	v10 =	vmax.f32 v10, v12;
	v12 =	vnsel vm4, $0x0, v42;
	v58 =	vsel vm4, $0x3F800000, v0  }
0x61: {  	vm4 =	vlt.f32 v13, $0.0e+00;
	v8 =	vmax.f32 v8, v10;
	v13 =	vsub.f32 v51, v49  }
0x62: {  	v14 =	vmax.f32 v56, v57;
	vm6 =	vgt.f32 v59, $0.0e+00;
	v8 =	vsub.f32 v8, v11  }
0x63: {  	v42 =	vimm.f32 $0.0e+00;
	v9 =	vmax.f32 v60, v14;
	v13 =	vmul.f32 v13, v59  }
0x64: {  	s28 =	sshll.u32 s26, $0x1;
	v12 =	vadd.f32 v12, v43;
	v9 =	vsub.f32 v9, v49;
	v8 =	vmul.f32 v8, v8  }
0x65: {  	s28 =	sadd.s32 s5, s28;
	v10 =	vadd.f32 v58, v44;
	vm4 =	vmand vm5, vm4;
	vm5 =	vlt.f32 v13, $0.0e+00  }
0x66: {  	s29 =	sadd.s32 $0x2, s28;
	v9 =	vmul.f32 v9, v9;
	v8 =	vnsel vm4, $0x0, v8;
	vm5 =	vmand vm6, vm5  }
0x67: {  	s29 =	smin.u32 s29, s8;
	v61 =	vsel vm4, $0x3F800000, v42;
	v8 =	vadd.f32 v8, v12;
	vm4 =	vmand vm5, vm1  }
0x68: {  	s30 =	sshrl.u32 s29, $0x3;
	s29 =	sshll.u32 s29, $0x7;
	v62 =	vsel vm2, $0x3F800000, v42;
	v10 =	vadd.f32 v61, v10;
	v9 =	vnsel vm4, $0x0, v9  }
0x69: {  	s31 =	sshll.u32 s26, $0x5;
	s3 =	sshll.u32 s30, $0x10;
	s2 =	sand.u32 $0x380, s29;
	v63 =	vnsel vm5, $0x0, v62;
	v8 =	vadd.f32 v9, v8  }
0x6a: {  	s29 =	sand.u32 $0x3FFFFFE0, s31;
	s3 =	sor.u32 s2, s3;
	v9 =	vadd.f32 v63, v10  }
0x6b: {  	s31 =	sand.u32 $0xE0, s31;
	s3 =	sshrl.u32 s3, $0x3;
	[tilespmem:s29+$0x5100] =	vst v8  }
0x6c: {  	s3 =	sadd.s32 s0, s3;
	[tilespmem:s31+$0x5200] =	vst v9  }
0x6d: {  	[tilespmem:s4], [sflag:$0x1] =	stream.strided.gather [hbm4b:s3+s13], $0x2000, s14, s13, $0x38;
	[tilespmem:$0x5380] =	vst v63  }
0x6e: {  	s3 =	sshll.u32 s30, $0xE  }
0x6f: {  	s2 =	sor.u32 s2, s3  }
0x70: {  	s2 =	sshrl.u32 s2, $0x3  }
0x71: {  	s2 =	sadd.s32 s1, s2  }
0x72: {  	[tilespmem:s15], [sflag:$0x2] =	stream.strided.gather [hbm4b:s2+s13], $0x800, s14, s13, $0x38;
	[tilespmem:$0x5380] =	vst v63  }
0x73: {  	_ =	swait.ge [sflag:s20], $0x2000  }
0x74: {  	[sflag:s20] =	ssyncset.done $0x0  }
0x75: {  	[sflag:s20] =	ssyncadd.s32 $0xFFFFE000  }
0x76: {  	_ =	swait.ge [sflag:s21], $0x800  }
0x77: {  	[sflag:s21] =	ssyncset.done $0x0  }
0x78: {  	s3 =	simm.s32 $0x4892;
	[sflag:s21] =	ssyncadd.s32 $0xFFFFF800  }
0x79: {  	v44 =	vld [tilespmem:s3+$0xFFFFFFFE]  }
0x7a: {  	v43 =	vld [tilespmem:s3+$0xFFFFFFFF]  }
0x7b: {  	v48 =	vld [tilespmem:s3+$0x0]  }
0x7c: {  	v45 =	vld [tilespmem:s3+$0xFFFFFFEE]  }
0x7d: {  	v49 =	vld [tilespmem:s3+$0xFFFFFFEF]  }
0x7e: {  	v47 =	vld [tilespmem:s3+$0xFFFFFFF0]  }
0x7f: {  	v51 =	vld.idx.msk [tilespmem:v1+s16+$0x0], $0xffff  }
0x80: {  	v46 =	vld.idx.msk [tilespmem:v35+s16+$0x0], $0xffff  }
0x81: {  	v50 =	vld.idx.msk [tilespmem:v36+s16+$0x0], $0xffff  }
0x82: {  	v52 =	vld.idx.msk [tilespmem:v37+s16+$0x0], $0xffff  }
0x83: {  	v53 =	vld.idx.msk [tilespmem:v38+s16+$0x0], $0xffff  }
0x84: {  	v39 =	vld.idx.msk [tilespmem:v39+s16+$0x0], $0xffff  }
0x85: {  	v37 =	vld.idx.msk [tilespmem:v40+s16+$0x0], $0xffff  }
0x86: {  	s31 =	simm.s32 $0x48B2;
	s30 =	simm.s32 $0x0;
	v38 =	vld.idx.msk [tilespmem:v41+s16+$0x0], $0xffff;
	v36 =	vadd.s32 $0x80, v1;
	v35 =	vimm.f32 $0.0e+00  }
.LBB2_5:
0x87: {  	v8 =	vadd.s32 $0x40, v36;
	v9 =	vld [tilespmem:s31+$0xFFFFFFFE];
	v10 =	vadd.s32 $0x41, v36;
	v11 =	vadd.s32 $0x42, v36  }
0x88: {  	v12 =	vor.u32 $0x1, v36;
	v13 =	vor.u32 $0x2, v36;
	v40 =	vadd.s32 $0x43, v36;
	v14 =	vld [tilespmem:s31+$0xFFFFFFFF]  }
0x89: {  	v41 =	vor.u32 $0x3, v36;
	v55 =	vsub.f32 v49, v45;
	v47 =	vsub.f32 v47, v49;
	v54 =	vld [tilespmem:s31+$0x0]  }
0x8a: {  	v51 =	vmax.f32 v51, v52;
	v52 =	vsub.f32 v43, v44;
	v39 =	vmax.f32 v53, v39;
	v45 =	vld [tilespmem:s31+$0xFFFFFFEE]  }
0x8b: {  	v48 =	vsub.f32 v48, v43;
	v56 =	vmul.f32 v47, v55;
	v39 =	vmax.f32 v51, v39;
	v53 =	vld [tilespmem:s31+$0xFFFFFFEF]  }
0x8c: {  	v46 =	vmax.f32 v46, v50;
	v39 =	vsub.f32 v39, v49;
	v37 =	vmax.f32 v37, v38;
	v47 =	vld [tilespmem:s31+$0xFFFFFFF0];
	v44 =	vmovc v9  }
0x8d: {  	s30 =	sadd.s32 $0x2, s30;
	vm4 =	vgt.f32 v55, $0.0e+00;
	v9 =	vmul.f32 v48, v52;
	v37 =	vmax.f32 v46, v37;
	v51 =	vld.idx.msk [tilespmem:v36+s16+$0x0], $0xffff  }
0x8e: {  	p0 =	slt.u32 s30, $0x7C;
	vm5 =	vlt.f32 v56, $0.0e+00;
	v37 =	vsub.f32 v37, v43;
	v43 =	vmovc v14;
	v46 =	vld.idx.msk [tilespmem:v8+s16+$0x0], $0xffff;
	v8 =	vmul.f32 v39, v39  }
0x8f: {  	vm6 =	vgt.f32 v52, $0.0e+00;
	vm4 =	vmand vm4, vm5;
	vm5 =	vlt.f32 v9, $0.0e+00;
	v48 =	vmovc v54;
	v50 =	vld.idx.msk [tilespmem:v10+s16+$0x0], $0xffff  }
.Ltmp1:
0x90: {  	v9 =	vsel vm4, $0x3F800000, v0;
	v10 =	vmul.f32 v37, v37;
	v52 =	vld.idx.msk [tilespmem:v12+s16+$0x0], $0xffff;
	v8 =	vnsel vm4, $0x0, v8;
	v49 =	vmovc v53;
	(pc) =	sbr.rel @p0 .LBB2_5-.Ltmp1, $4  }
0x91: {  	v9 =	vadd.f32 v9, v35;
	vm4 =	vmand vm6, vm5;
	v53 =	vld.idx.msk [tilespmem:v13+s16+$0x0], $0xffff;
	v8 =	vadd.f32 v8, v42  }
0x92: {  	v10 =	vnsel vm4, $0x0, v10;
	v12 =	vsel vm4, $0x3F800000, v0;
	v39 =	vld.idx.msk [tilespmem:v41+s16+$0x0], $0xffff  }
0x93: {  	v35 =	vadd.f32 v12, v9;
	v37 =	vld.idx.msk [tilespmem:v11+s16+$0x0], $0xffff;
	v42 =	vadd.f32 v10, v8  }
0x94: {  	s31 =	sadd.s32 $0x20, s31;
	v36 =	vadd.s32 $0x80, v36;
	v38 =	vld.idx.msk [tilespmem:v40+s16+$0x0], $0xffff  }
0x95: {  	_ = 	snop  }
0x96: {  	v9 =	vld [tilespmem:$0x5060]  }
0x97: {  	v11 =	vld [tilespmem:$0x5061]  }
0x98: {  	v13 =	vld [tilespmem:$0x5062]  }
0x99: {  	v14 =	vld.idx.msk [tilespmem:v36+s16+$0x0], $0xffff  }
0x9a: {  	v8 =	vor.u32 $0x1, v36;
	v10 =	vor.u32 $0x2, v36;
	v63 =	vsub.f32 v48, v43;
	v48 =	vld [tilespmem:$0x5070]  }
0x9b: {  	v40 =	vsub.f32 v49, v45;
	v41 =	vsub.f32 v47, v49;
	v62 =	vmax.f32 v46, v50;
	v50 =	vld [tilespmem:$0x5071]  }
0x9c: {  	v12 =	vor.u32 $0x3, v36;
	v61 =	vmax.f32 v51, v52;
	v44 =	vsub.f32 v43, v44;
	v52 =	vld [tilespmem:$0x5072]  }
0x9d: {  	v54 =	vld.idx.msk [tilespmem:v3+s16+$0x0], $0xffff;
	v39 =	vmax.f32 v53, v39;
	v41 =	vmul.f32 v41, v40  }
0x9e: {  	vm4 =	vgt.f32 v40, $0.0e+00;
	v51 =	vmul.f32 v63, v44;
	v53 =	vld.idx.msk [tilespmem:v2+s16+$0x0], $0xffff;
	vm6 =	vgt.f32 v44, $0.0e+00  }
0x9f: {  	v36 =	vmax.f32 v61, v39;
	v37 =	vmax.f32 v37, v38;
	vm5 =	vlt.f32 v41, $0.0e+00;
	v8 =	vld.idx.msk [tilespmem:v8+s16+$0x0], $0xffff  }
0xa0: {  	v36 =	vsub.f32 v36, v49;
	v10 =	vld.idx.msk [tilespmem:v10+s16+$0x0], $0xffff;
	v37 =	vmax.f32 v62, v37;
	vm4 =	vmand vm4, vm5  }
0xa1: {  	v12 =	vld.idx.msk [tilespmem:v12+s16+$0x0], $0xffff;
	vm5 =	vlt.f32 v51, $0.0e+00;
	v9 =	vsub.f32 v11, v9;
	v13 =	vsub.f32 v13, v11  }
0xa2: {  	v56 =	vld.idx.msk [tilespmem:v5+s16+$0x0], $0xffff;
	v59 =	vsub.f32 v50, v48;
	v37 =	vsub.f32 v37, v43;
	v55 =	vsel vm4, $0x3F800000, v0  }
0xa3: {  	v57 =	vld.idx.msk [tilespmem:v6+s16+$0x0], $0xffff;
	v36 =	vmul.f32 v36, v36;
	v35 =	vadd.f32 v55, v35;
	v13 =	vmul.f32 v13, v9  }
0xa4: {  	v60 =	vmax.f32 v53, v54;
	vm15 =	vgt.f32 v59, $0.0e+00;
	v37 =	vmul.f32 v37, v37  }
0xa5: {  	v36 =	vnsel vm4, $0x0, v36;
	vm4 =	vmand vm6, vm5;
	vm5 =	vgt.f32 v9, $0.0e+00  }
0xa6: {  	v36 =	vadd.f32 v36, v42;
	v8 =	vmax.f32 v14, v8;
	v10 =	vmax.f32 v10, v12  }
0xa7: {  	v58 =	vsel vm4, $0x3F800000, v0;
	v12 =	vsub.f32 v52, v50;
	v8 =	vmax.f32 v8, v10  }
0xa8: {  	v37 =	vnsel vm4, $0x0, v37;
	v14 =	vmax.f32 v56, v57;
	v8 =	vsub.f32 v8, v11  }
0xa9: {  	v35 =	vadd.f32 v58, v35;
	v12 =	vmul.f32 v12, v59;
	v11 =	vmax.f32 v60, v14  }
0xaa: {  	vm4 =	vlt.f32 v13, $0.0e+00;
	v61 =	vsub.f32 v11, v50;
	v8 =	vmul.f32 v8, v8  }
0xab: {  	v36 =	vadd.f32 v37, v36;
	vm4 =	vmand vm5, vm4;
	vm5 =	vlt.f32 v12, $0.0e+00  }
0xac: {  	s2 =	sadd.s32 $0x3, s28;
	vm5 =	vmand vm15, vm5;
	v9 =	vmul.f32 v61, v61;
	v8 =	vnsel vm4, $0x0, v8  }
0xad: {  	s2 =	smin.u32 s2, s8;
	v62 =	vsel vm4, $0x3F800000, v0;
	vm4 =	vmand vm5, vm1;
	v8 =	vadd.f32 v8, v36  }
0xae: {  	s3 =	sshrl.u32 s2, $0x3;
	s2 =	sshll.u32 s2, $0x7;
	v10 =	vadd.f32 v62, v35;
	v9 =	vnsel vm4, $0x0, v9  }
0xaf: {  	s26 =	sadd.s32 $0x1, s26;
	s31 =	sshll.u32 s3, $0x10;
	s2 =	sand.u32 $0x380, s2;
	v63 =	vnsel vm5, $0x0, v7;
	v8 =	vadd.f32 v9, v8  }
0xb0: {  	p0 =	sne.s32 s26, $0x8;
	s3 =	sshll.u32 s3, $0xE;
	s28 =	sor.u32 s2, s31;
	v9 =	vadd.f32 v63, v10  }
.Ltmp2:
0xb1: {  	s2 =	sor.u32 s2, s3;
	s28 =	sshrl.u32 s28, $0x3;
	[tilespmem:s29+$0x5110] =	vst v8;
	(pc) =	sbr.rel @p0 .LBB2_2-.Ltmp2, $4  }
0xb2: {  	s2 =	sshrl.u32 s2, $0x3;
	s28 =	sadd.s32 s0, s28;
	[tilespmem:s29+$0x5210] =	vst v9  }
0xb3: {  	[tilespmem:s16], [sflag:$0x3] =	stream.strided.gather [hbm4b:s28+s13], $0x2000, s14, s13, $0x38;
	[tilespmem:$0x5380] =	vst v63  }
0xb4: {  	s2 =	sadd.s32 s1, s2  }
0xb5: {  	[tilespmem:s17], [sflag:$0x4] =	stream.strided.gather [hbm4b:s2+s13], $0x800, s14, s13, $0x38;
	[tilespmem:$0x5380] =	vst v63  }
0xb6: {  	_ =	swait.ge [sflag:s18], $0x2000  }
0xb7: {  	[sflag:s18] =	ssyncset.done $0x0  }
0xb8: {  	[sflag:s18] =	ssyncadd.s32 $0xFFFFE000  }
0xb9: {  	_ =	swait.ge [sflag:s19], $0x800  }
0xba: {  	[sflag:s19] =	ssyncset.done $0x0  }
0xbb: {  	[sflag:s19] =	ssyncadd.s32 $0xFFFFF800  }
0xbc: {  	_ =	swait.ge [sflag:s20], $0x2000  }
0xbd: {  	[sflag:s20] =	ssyncset.done $0x0  }
0xbe: {  	[sflag:s20] =	ssyncadd.s32 $0xFFFFE000  }
0xbf: {  	_ =	swait.ge [sflag:s21], $0x800  }
0xc0: {  	v8 =	vld [tilespmem:$0x1FF90];
	_ =	sdelay $0x1  }
0xc1: {  	v9 =	vld [tilespmem:$0x1FFB0];
	_ =	sdelay $0x1  }
0xc2: {  	v10 =	vld [tilespmem:$0x1FFD0];
	_ =	sdelay $0x1  }
0xc3: {  	[sflag:s21] =	ssyncset.done $0x0;
	v11 =	vld [tilespmem:$0x1FFF0]  }
0xc4: {  	[sflag:s21] =	ssyncadd.s32 $0xFFFFF800  }
0xc5: {  	v8 =	vld.idx.msk [tilespmem:v8+s22+$0x0], $0xffff;
	_ =	sdelay $0x1  }
0xc6: {  	v9 =	vld.idx.msk [tilespmem:v9+s22+$0x0], $0xffff;
	_ =	sdelay $0x1  }
0xc7: {  	v10 =	vld.idx.msk [tilespmem:v10+s22+$0x0], $0xffff  }
0xc8: {  	v13 =	vld [tilespmem:$0x1FFA0];
	v8 =	vadd.f32 $0.0e+00, v8  }
0xc9: {  	v11 =	vld.idx.msk [tilespmem:v11+s22+$0x0], $0xffff  }
0xca: {  	v14 =	vld [tilespmem:$0x1FFC0];
	v8 =	vadd.f32 v9, v8  }
0xcb: {  	v47 =	vld.idx.msk [tilespmem:v16+s22+$0x0], $0xffff  }
0xcc: {  	v35 =	vld [tilespmem:$0x1FFE0];
	v8 =	vadd.f32 v10, v8  }
0xcd: {  	v48 =	vld.idx.msk [tilespmem:v18+s22+$0x0], $0xffff  }
0xce: {  	v12 =	vld.idx.msk [tilespmem:v4+s22+$0x0], $0xffff;
	v8 =	vadd.f32 v11, v8  }
0xcf: {  	v49 =	vld.idx.msk [tilespmem:v20+s22+$0x0], $0xffff  }
0xd0: {  	v13 =	vld.idx.msk [tilespmem:v13+s22+$0x0], $0xffff;
	v8 =	vadd.f32 v47, v8  }
0xd1: {  	v50 =	vld.idx.msk [tilespmem:v22+s22+$0x0], $0xffff  }
0xd2: {  	v14 =	vld.idx.msk [tilespmem:v14+s22+$0x0], $0xffff;
	v8 =	vadd.f32 v48, v8  }
0xd3: {  	v51 =	vadd.f32 $0.0e+00, v12;
	v12 =	vld.idx.msk [tilespmem:v24+s22+$0x0], $0xffff  }
0xd4: {  	v35 =	vld.idx.msk [tilespmem:v35+s22+$0x0], $0xffff;
	v8 =	vadd.f32 v49, v8  }
0xd5: {  	v52 =	vld.idx.msk [tilespmem:v26+s22+$0x0], $0xffff;
	v10 =	vadd.f32 v13, v51  }
0xd6: {  	v13 =	vld.idx.msk [tilespmem:v15+s22+$0x0], $0xffff;
	v8 =	vadd.f32 v50, v8  }
0xd7: {  	v54 =	vld.idx.msk [tilespmem:v28+s22+$0x0], $0xffff;
	v53 =	vadd.f32 v14, v10  }
0xd8: {  	v14 =	vld.idx.msk [tilespmem:v17+s22+$0x0], $0xffff;
	v8 =	vadd.f32 v12, v8  }
0xd9: {  	v9 =	vadd.f32 v35, v53;
	v12 =	vld.idx.msk [tilespmem:v30+s22+$0x0], $0xffff  }
0xda: {  	v56 =	vor.u32 $0x10E, v4;
	v55 =	vld.idx.msk [tilespmem:v19+s22+$0x0], $0xffff;
	v8 =	vadd.f32 v52, v8  }
0xdb: {  	v9 =	vadd.f32 v13, v9;
	v13 =	vld.idx.msk [tilespmem:v32+s22+$0x0], $0xffff  }
0xdc: {  	v57 =	vor.u32 $0x10F, v4;
	v36 =	vld.idx.msk [tilespmem:v21+s22+$0x0], $0xffff;
	v8 =	vadd.f32 v54, v8  }
0xdd: {  	v9 =	vadd.f32 v14, v9;
	v14 =	vld.idx.msk [tilespmem:v34+s22+$0x0], $0xffff  }
0xde: {  	v8 =	vadd.f32 v12, v8;
	v12 =	vld.idx.msk [tilespmem:v23+s22+$0x0], $0xffff  }
0xdf: {  	v11 =	vld.idx.msk [tilespmem:v56+s22+$0x0], $0xffff;
	v9 =	vadd.f32 v55, v9  }
0xe0: {  	v8 =	vadd.f32 v13, v8;
	v13 =	vld.idx.msk [tilespmem:v25+s22+$0x0], $0xffff  }
0xe1: {  	v10 =	vld.idx.msk [tilespmem:v57+s22+$0x0], $0xffff;
	v9 =	vadd.f32 v36, v9  }
0xe2: {  	v58 =	vld.idx.msk [tilespmem:v27+s22+$0x0], $0xffff;
	v8 =	vadd.f32 v14, v8  }
0xe3: {  	v9 =	vadd.f32 v12, v9  }
0xe4: {  	v12 =	vld.idx.msk [tilespmem:v29+s22+$0x0], $0xffff;
	v8 =	vadd.f32 v11, v8  }
0xe5: {  	v59 =	vor.u32 $0xE, v4;
	v9 =	vadd.f32 v13, v9  }
0xe6: {  	v13 =	vld.idx.msk [tilespmem:v31+s22+$0x0], $0xffff;
	v8 =	vadd.f32 v10, v8  }
0xe7: {  	v60 =	vor.u32 $0xF, v4;
	v9 =	vadd.f32 v58, v9  }
0xe8: {  	v14 =	vld.idx.msk [tilespmem:v33+s22+$0x0], $0xffff;
	v61 =	vmax.f32 v8, $1.000000000e+00  }
0xe9: {  	v9 =	vadd.f32 v12, v9;
	(erf) = vrcp.f32 v61  }
0xea: {  	v11 =	vld.idx.msk [tilespmem:v59+s22+$0x0], $0xffff  }
0xeb: {  	v9 =	vadd.f32 v13, v9  }
0xec: {  	v10 =	vld.idx.msk [tilespmem:v60+s22+$0x0], $0xffff  }
0xed: {  	v9 =	vadd.f32 v14, v9;
	_ =	sdelay $0x1  }
0xee: {  	v9 =	vadd.f32 v11, v9;
	_ =	sdelay $0x1  }
0xef: {  	v9 =	vadd.f32 v10, v9  }
0xf0: {  	v62 =	vpop (erf)  }
0xf1: {  	vm4 =	vgt.f32 v8, $0.0e+00;
	v9 =	vmul.f32 v62, v9  }
0xf2: {  	v8 =	vsel vm4, $0x3F800000, v0  }
0xf3: {  	v9 =	vmul.f32 v9, v8;
	_ =	sdelay $0x1  }
0xf4: {  	v9 =	vadd.f32 $0.0e+00, v9;
	_ =	sdelay $0x1  }
0xf5: {  	(xrf2) =	vadd.scan.msk.f32 $0xffff, v9  }
0xf6: {  	(xrf2) =	vadd.scan.msk.f32 $0xffff, v8;
	_ =	sdelay $0x8  }
0xf7: {  	v8, _, _ =	vpop (xrf2)  }
0xf8: {  	v63, _, _ =	vpop (xrf2)  }
0xf9: {  	v9 =	vbroadcast v63, $0xF  }
0xfa: {  	v8 =	vbroadcast v8, $0xF  }
0xfb: {  	s25 =	sadd.s32 $0x1, s25;
	v9 =	vnsel vm0, $0x0, v9  }
0xfc: {  	p0 =	sne.s32 s25, s12;
	v8 =	vsel vm3, v9, v8  }
.Ltmp3:
0xfd: {  	[tilespmem:$0x5300] =	vst v8;
	(pc) =	sbr.rel @p0 .LBB2_1-.Ltmp3, $4  }
0xfe: {  	[hbm4b:s11+s4] =	stream.linear.scatter [tilespmem:s23], [sflag:$0x5], $0x80, $0x38;
	[tilespmem:$0x5380] =	vst v63  }
0xff: {  	_ =	swait.ge [sflag:s24], $0x80  }
0x100: {  	[sflag:s24] =	ssyncset.done $0x0  }
0x101: {  	[sflag:s24] =	ssyncadd.s32 $0xFFFFFF80  }
0x102: {  	_ =	sfence.sel $0x180000  }
0x103: {  	[bflag:$0x0] =	sbarrier.arrive $0xFFFF  }
0x104: {  	_ =	strace $0x90000047  }
0x105: {  	s0 =	stileid.u32;
	[bflag:$0x2] =	sbarrier.arrive $0xFFFF  }
0x106: {  	p0 =	sne.s32 s0, $0x0;
	s0 =	rddreg [dreg:$0x3]  }
0x107: {  	s0 =	sadd.s32 @!p0 $0x100000, s0  }
0x108: {  	[sflag:s0] =	ssyncadd.tile.s32 @!p0 $0x1;
	_ =	shalt  }
.Lfunc_end2:
_tile_overlayer_lowered:
.L_overlay_start_2:
0x109: {  	(tag) =	ssettag $0x2  }
0x10a: {  	s0 =	rddreg [dreg:$0x0];
	s2 =	stileid.u32  }
0x10b: {  	s1 =	rddreg [dreg:$0x1];
	p0 =	sne.s32 s2, $0x0  }
0x10c: {  	s3 =	rddreg [dreg:$0x2];
	[bflag:$0x3] =	sbarrier.arrive $0xFFFF;
	s2 =	simm.s32 @!p0 $0x1C05  }
0x10d: {  	[timem:s3], [sflag:s2] =	dma.local @!p0 [hbm:s0], s1  }
0x10e: {  	s0 =	simm.s32 @!p0 $0x5  }
0x10f: {  	_ =	swait.ge @!p0 [sflag:s0], s1  }
0x110: {  	s1 =	ssub.s32 @!p0 $0x0, s1;
	[sflag:s0] =	ssyncset.done @!p0 $0x0  }
0x111: {  	[sflag:s0] =	ssyncadd.s32 @!p0 s1  }
0x112: {  	[bflag:$0x3] =	sbarrier.arrive $0xFFFF  }
0x113: {  	_ =	shalt  }

</sc_bundles>
